<compile_context>
chip_gen: v7x
topology: tpu7x:2x2x1
jax: 0.10.2.dev20260603
libtpu: 0.0.44.dev20260713+nightly
codegen_flags: <defaults>
</compile_context>

<pallas_src>
import functools

import numpy as np
import jax
import jax.numpy as jnp
from jax.experimental import pallas as pl

_LOC_SCOPE = 3.0
_LOC_BIN_SIZE = 0.5
_NUM_HEAD_BIN = 12
_NMS_POST = 512
_NMS_THRES = 0.8
_MEAN_SIZE = (1.52563191462, 1.62856739989, 3.88311640418)
_PER = 12
_PRE1, _PRE2 = 6300, 2700
_POST1, _POST2 = 358, 154
_L1 = 6400
_L2 = 10112


def _decode_body(reg_ref, xyz_ref, out_ref):
    reg = reg_ref[...]
    xyz = xyz_ref[...]
    r = reg.shape[0]
    iota = jax.lax.broadcasted_iota(jnp.int32, (r, _PER), 1)

    def first_argmax(s):
        m = jnp.max(s, axis=1, keepdims=True)
        return jnp.min(jnp.where(s == m, iota, _PER), axis=1, keepdims=True)

    def gather_bin(s, b):
        return jnp.sum(jnp.where(iota == b, s, 0.0), axis=1, keepdims=True)

    x_bin = first_argmax(reg[:, 0:12])
    z_bin = first_argmax(reg[:, 12:24])
    x_res = gather_bin(reg[:, 24:36], x_bin) * _LOC_BIN_SIZE
    z_res = gather_bin(reg[:, 36:48], z_bin) * _LOC_BIN_SIZE
    half = _LOC_BIN_SIZE * 0.5
    pos_x = x_bin.astype(jnp.float32) * _LOC_BIN_SIZE + half - _LOC_SCOPE
    pos_z = z_bin.astype(jnp.float32) * _LOC_BIN_SIZE + half - _LOC_SCOPE
    pos_x = pos_x + x_res + xyz[:, 0:1]
    pos_z = pos_z + z_res + xyz[:, 2:3]

    ry_bin = first_argmax(reg[:, 49:61])
    ry_res = gather_bin(reg[:, 61:73], ry_bin)
    apc = 2.0 * np.pi / _NUM_HEAD_BIN
    twopi = jnp.float32(2.0 * np.pi)
    ry = ry_bin.astype(jnp.float32) * apc + ry_res * (apc / 2.0)
    ry = ry - jnp.floor(ry / twopi) * twopi
    ry = jnp.where(ry > np.pi, ry - twopi, ry)

    m0, m1, m2 = _MEAN_SIZE
    h = reg[:, 73:74] * m0 + m0
    w = reg[:, 74:75] * m1 + m1
    l = reg[:, 75:76] * m2 + m2
    pos_y = xyz[:, 1:2] + reg[:, 48:49] + h * 0.5

    out_ref[:, 0:1] = pos_x
    out_ref[:, 1:2] = pos_y
    out_ref[:, 2:3] = pos_z
    out_ref[:, 3:4] = h
    out_ref[:, 4:5] = w
    out_ref[:, 5:6] = l
    out_ref[:, 6:7] = ry
    out_ref[:, 7:8] = jnp.zeros((r, 1), jnp.float32)


def _decode(reg2d, xyz2d):
    rows = reg2d.shape[0]
    blk = 2048
    out = pl.pallas_call(
        _decode_body,
        grid=(rows // blk,),
        in_specs=[
            pl.BlockSpec((blk, 76), lambda i: (i, 0)),
            pl.BlockSpec((blk, 3), lambda i: (i, 0)),
        ],
        out_specs=pl.BlockSpec((blk, 8), lambda i: (i, 0)),
        out_shape=jax.ShapeDtypeStruct((rows, 8), jnp.float32),
    )(reg2d, xyz2d)
    return out[:, :7]


def _nms_body(x1_ref, y1_ref, x2_ref, y2_ref, valid_ref, keep_ref, *, max_keep):
    x1 = x1_ref[0]
    y1 = y1_ref[0]
    x2 = x2_ref[0]
    y2 = y2_ref[0]
    valid = valid_ref[0] > 0
    rows = x1.shape[0]
    lin = (jax.lax.broadcasted_iota(jnp.int32, (rows, 128), 0) * 128
           + jax.lax.broadcasted_iota(jnp.int32, (rows, 128), 1))
    area = (x2 - x1) * (y2 - y1)
    big = jnp.int32(1 << 20)
    neg = jnp.float32(-1e30)

    def body(_, carry):
        keep, supp = carry
        alive = jnp.logical_and(valid, supp == 0)
        j = jnp.min(jnp.where(alive, lin, big))
        sel = lin == j
        x1j = jnp.max(jnp.where(sel, x1, neg))
        y1j = jnp.max(jnp.where(sel, y1, neg))
        x2j = jnp.max(jnp.where(sel, x2, neg))
        y2j = jnp.max(jnp.where(sel, y2, neg))
        aj = jnp.max(jnp.where(sel, area, neg))
        iw = jnp.maximum(jnp.minimum(x2j, x2) - jnp.maximum(x1j, x1), 0.0)
        ih = jnp.maximum(jnp.minimum(y2j, y2) - jnp.maximum(y1j, y1), 0.0)
        inter = iw * ih
        iou = inter / jnp.maximum(aj + area - inter, 1e-12)
        hit = jnp.logical_and(iou > _NMS_THRES, lin > j)
        supp = jnp.maximum(supp, jnp.where(jnp.logical_or(sel, hit), 1, 0))
        keep = jnp.maximum(keep, jnp.where(sel, 1, 0))
        return keep, supp

    zeros = jnp.zeros((rows, 128), dtype=jnp.int32)
    keep, _ = jax.lax.fori_loop(0, max_keep, body, (zeros, zeros))
    keep_ref[0] = keep


def _run_nms(x1, y1, x2, y2, valid, max_keep):
    b, length = x1.shape
    rows = length // 128
    rs = lambda a: a.reshape(b, rows, 128)
    spec = pl.BlockSpec((1, rows, 128), lambda g: (g, 0, 0))
    out = pl.pallas_call(
        functools.partial(_nms_body, max_keep=max_keep),
        grid=(b,),
        in_specs=[spec] * 5,
        out_specs=spec,
        out_shape=jax.ShapeDtypeStruct((b, rows, 128), jnp.int32),
    )(rs(x1), rs(y1), rs(x2), rs(y2), rs(valid.astype(jnp.int32)))
    return out.reshape(b, length) > 0


def _bev(cp):
    x1 = cp[..., 0] - cp[..., 3] * 0.5
    y1 = cp[..., 2] - cp[..., 5] * 0.5
    x2 = cp[..., 0] + cp[..., 3] * 0.5
    y2 = cp[..., 2] + cp[..., 5] * 0.5
    return x1, y1, x2, y2


def kernel(rpn_scores, rpn_reg, xyz):
    b, n, c = rpn_reg.shape
    props = _decode(rpn_reg.reshape(-1, c), xyz.reshape(-1, 3)).reshape(b, n, 7)

    order = jnp.argsort(-rpn_scores, axis=1, stable=True)
    dist = jnp.take_along_axis(props[..., 2], order, axis=1)
    ar = jnp.arange(n, dtype=jnp.int32)
    brow = jnp.arange(b, dtype=jnp.int32)[:, None]

    def compact(mask):
        slot = jnp.cumsum(mask.astype(jnp.int32), axis=1) - 1
        slot = jnp.where(mask, slot, n)
        out = jnp.full((b, n), n, dtype=jnp.int32)
        return out.at[jnp.broadcast_to(brow, (b, n)), slot].set(
            jnp.broadcast_to(ar[None], (b, n)), mode="drop")

    first_mask = (dist > 0.0) & (dist <= 40.0)
    f_cnt = jnp.sum(first_mask, axis=1).astype(jnp.int32)
    pos_first = compact(first_mask)

    pos1 = pos_first[:, :_L1]
    valid1 = ar[None, :_L1] < jnp.minimum(f_cnt, _PRE1)[:, None]
    cand1 = jnp.take_along_axis(order, jnp.minimum(pos1, n - 1), axis=1)
    cp1 = jnp.take_along_axis(props, cand1[..., None], axis=1)
    keep1 = _run_nms(*_bev(cp1), valid1, _POST1)

    m2 = (dist > 40.0) & (dist <= 80.0)
    m2_cnt = jnp.sum(m2, axis=1).astype(jnp.int32)
    posA2 = compact(m2)[:, :_L2]
    posB2 = jnp.concatenate(
        [pos_first[:, _PRE1:],
         jnp.full((b, _L2 - (n - _PRE1)), n, dtype=pos_first.dtype)],
        axis=1)
    validA2 = ar[None, :_L2] < jnp.minimum(m2_cnt, _PRE2)[:, None]
    validB2 = ar[None, :_L2] < (f_cnt[:, None] - _PRE1)
    use_a = (m2_cnt != 0)[:, None]
    pos2 = jnp.where(use_a, posA2, posB2)
    valid2 = jnp.where(use_a, validA2, validB2)
    cand2 = jnp.take_along_axis(order, jnp.minimum(pos2, n - 1), axis=1)
    cp2 = jnp.take_along_axis(props, cand2[..., None], axis=1)
    keep2 = _run_nms(*_bev(cp2), valid2, _POST2)

    out_idx = jnp.zeros((b, _NMS_POST), dtype=jnp.int32)
    out_valid = jnp.zeros((b, _NMS_POST), dtype=bool)
    for k in range(b):
        c1 = jnp.cumsum(keep1[k].astype(jnp.int32))
        slots1 = jnp.where(keep1[k], c1 - 1, _NMS_POST)
        out_idx = out_idx.at[k, slots1].set(cand1[k].astype(jnp.int32), mode="drop")
        out_valid = out_valid.at[k, slots1].set(True, mode="drop")
        off = c1[-1]
        c2 = jnp.cumsum(keep2[k].astype(jnp.int32))
        slots2 = jnp.where(keep2[k], off + c2 - 1, _NMS_POST)
        out_idx = out_idx.at[k, slots2].set(cand2[k].astype(jnp.int32), mode="drop")
        out_valid = out_valid.at[k, slots2].set(True, mode="drop")

    ret_bbox = jnp.where(out_valid[..., None],
                         jnp.take_along_axis(props, out_idx[..., None], axis=1),
                         jnp.float32(0.0))
    ret_scores = jnp.where(out_valid,
                           jnp.take_along_axis(rpn_scores, out_idx, axis=1),
                           jnp.float32(0.0))
    return ret_bbox, ret_scores

# --- scband reference (transcript-rebuilt; emitter-appended) ---
"""Pipeline reference for scband-rcnn-59717225284162 (READ-ONLY COPY).

The authoritative reference and input builder live on the scoring server;
editing this copy changes nothing except your own understanding.
"""

import jax, jax.numpy as jnp
import numpy as np

NMS_PRE = 9000
NMS_POST = 512
NMS_THRES = 0.8
LOC_SCOPE = 3.0
LOC_BIN_SIZE = 0.5
NUM_HEAD_BIN = 12
MEAN_SIZE = np.array([1.52563191462, 1.62856739989, 3.88311640418], dtype=np.float32)
B, N, C = 4, 16384, 76


def setup_inputs(seed: int = 0):
    key = jax.random.key(seed)
    k1, k2, k3 = jax.random.split(key, 3)
    rpn_scores = jax.random.normal(k1, (B, N), dtype=jnp.float32)
    rpn_reg = jax.random.normal(k2, (B, N, C), dtype=jnp.float32)
    xyz = jax.random.normal(k3, (B, N, 3), dtype=jnp.float32)
    return {"rpn_scores": rpn_scores, "rpn_reg": rpn_reg, "xyz": xyz}


def decode_bbox_target(roi, reg):
    # roi: (M, 3) point coords; reg: (M, 76)
    per = int(LOC_SCOPE / LOC_BIN_SIZE) * 2  # 12
    x_bin = jnp.argmax(reg[:, 0:per], axis=1)
    z_bin = jnp.argmax(reg[:, per:2 * per], axis=1)
    pos_x = x_bin.astype(jnp.float32) * LOC_BIN_SIZE + LOC_BIN_SIZE / 2 - LOC_SCOPE
    pos_z = z_bin.astype(jnp.float32) * LOC_BIN_SIZE + LOC_BIN_SIZE / 2 - LOC_SCOPE
    # fine xz residuals gathered at the argmax bin
    x_res = jnp.take_along_axis(reg[:, 2 * per:3 * per], x_bin[:, None], axis=1)[:, 0] * LOC_BIN_SIZE
    z_res = jnp.take_along_axis(reg[:, 3 * per:4 * per], z_bin[:, None], axis=1)[:, 0] * LOC_BIN_SIZE
    pos_x = pos_x + x_res
    pos_z = pos_z + z_res
    start = 4 * per
    pos_y = roi[:, 1] + reg[:, start]
    start = start + 1
    ry_bin = jnp.argmax(reg[:, start:start + NUM_HEAD_BIN], axis=1)
    ry_res_norm = jnp.take_along_axis(reg[:, start + NUM_HEAD_BIN:start + 2 * NUM_HEAD_BIN], ry_bin[:, None], axis=1)[:, 0]
    apc = 2.0 * np.pi / NUM_HEAD_BIN
    ry = (ry_bin.astype(jnp.float32) * apc + ry_res_norm * (apc / 2.0)) % (2.0 * np.pi)
    ry = jnp.where(ry > np.pi, ry - 2.0 * np.pi, ry)
    anchor = jnp.asarray(MEAN_SIZE)
    hwl = reg[:, start + 2 * NUM_HEAD_BIN:start + 2 * NUM_HEAD_BIN + 3] * anchor + anchor
    # roi has 3 cols -> no rotate branch; add roi center x/z
    pos_x = pos_x + roi[:, 0]
    pos_z = pos_z + roi[:, 2]
    box = jnp.concatenate([pos_x[:, None], pos_y[:, None], pos_z[:, None], hwl, ry[:, None]], axis=1)
    return box


def nms_axis_aligned(bev, valid, thresh, max_keep):
    # greedy NMS on axis-aligned BEV boxes (approximation of rotated NMS)
    x1, y1, x2, y2 = bev[:, 0], bev[:, 1], bev[:, 2], bev[:, 3]
    areas = (x2 - x1) * (y2 - y1)
    n = bev.shape[0]
    idxs = jnp.arange(n)

    def body(j, state):
        keep, suppressed, count = state
        can = valid[j] & (~suppressed[j]) & (count < max_keep)
        keep = keep.at[j].set(can)
        count = count + can.astype(jnp.int32)
        xx1 = jnp.maximum(x1[j], x1)
        yy1 = jnp.maximum(y1[j], y1)
        xx2 = jnp.minimum(x2[j], x2)
        yy2 = jnp.minimum(y2[j], y2)
        inter = jnp.maximum(xx2 - xx1, 0.0) * jnp.maximum(yy2 - yy1, 0.0)
        iou = inter / jnp.maximum(areas[j] + areas - inter, 1e-12)
        suppressed = suppressed | (can & (iou > thresh) & (idxs > j))
        return keep, suppressed, count

    zeros = jnp.zeros((n,), dtype=bool)
    keep, _, _ = jax.lax.fori_loop(0, n, body, (zeros, zeros, jnp.int32(0)))
    return keep


def select_indices(scores, proposals):
    # distance_based_proposal: returns padded indices (into original order) of kept proposals
    n = scores.shape[0]
    order = jnp.argsort(-scores, stable=True)
    dist = proposals[order, 2]
    nms_range = [0.0, 40.0, 80.0]
    pre = [0, int(NMS_PRE * 0.7), NMS_PRE - int(NMS_PRE * 0.7)]
    post = [0, int(NMS_POST * 0.7), NMS_POST - int(NMS_POST * 0.7)]
    first_mask = (dist > nms_range[0]) & (dist <= nms_range[1])
    f_cnt = jnp.sum(first_mask)
    arange = jnp.arange(n)
    posB_all = jnp.sort(jnp.where(first_mask, arange, n))
    out_idx = jnp.zeros((NMS_POST,), dtype=jnp.int32)
    out_valid = jnp.zeros((NMS_POST,), dtype=bool)
    offset = jnp.int32(0)
    for i in range(1, 3):
        m = (dist > nms_range[i - 1]) & (dist <= nms_range[i])
        m_cnt = jnp.sum(m)
        posA = jnp.sort(jnp.where(m, arange, n))
        validA = (arange < m_cnt) & (arange < pre[i])
        posB = jnp.concatenate([posB_all[pre[i - 1]:], jnp.full((pre[i - 1],), n)])
        validB = arange < (f_cnt - pre[i - 1])
        use_a = m_cnt != 0
        pos = jnp.where(use_a, posA, posB)
        valid = jnp.where(use_a, validA, validB)
        cand = order[jnp.minimum(pos, n - 1)]
        cp = proposals[cand]
        bev = jnp.stack([cp[:, 0] - cp[:, 3] / 2, cp[:, 2] - cp[:, 5] / 2,
                         cp[:, 0] + cp[:, 3] / 2, cp[:, 2] + cp[:, 5] / 2], axis=1)
        keep = nms_axis_aligned(bev, valid, NMS_THRES, post[i])
        slots = jnp.where(keep, offset + jnp.cumsum(keep.astype(jnp.int32)) - 1, NMS_POST)
        out_idx = out_idx.at[slots].set(cand.astype(jnp.int32), mode="drop")
        out_valid = out_valid.at[slots].set(True, mode="drop")
        offset = offset + jnp.sum(keep).astype(jnp.int32)
    return out_idx, out_valid


def reference(rpn_scores, rpn_reg, xyz):
    props = decode_bbox_target(xyz.reshape(-1, 3), rpn_reg.reshape(-1, C)).reshape(B, -1, 7)
    props = props.at[..., 1].add(props[..., 3] / 2)
    bbox_rows = []
    score_rows = []
    for k in range(B):
        idx, valid = select_indices(rpn_scores[k], props[k])
        bbox_rows.append(jnp.where(valid[:, None], props[k][idx], jnp.float32(0.0)))
        score_rows.append(jnp.where(valid, rpn_scores[k][idx], jnp.float32(0.0)))
    ret_bbox = jnp.stack(bbox_rows).astype(jnp.float32)
    ret_scores = jnp.stack(score_rows).astype(jnp.float32)
    return ret_bbox, ret_scores

if __name__ == "__main__":
    import jax
    _d = setup_inputs()
    print(jax.jit(kernel)(*tuple(_d.values())))

</pallas_src>

<mosaic_0001>
module attributes {stable_mosaic.version = 14 : i64} {
  func.func @_decode_body(%arg0: i32, %arg1: memref<2048x76xf32, #tpu.memory_space<vmem>>, %arg2: memref<2048x3xf32, #tpu.memory_space<vmem>>, %arg3: memref<2048x8xf32, #tpu.memory_space<vmem>>) attributes {dimension_semantics = [#tpu.dimension_semantics<arbitrary>], iteration_bounds = array<i64: 32>, scalar_prefetch = 0 : i64, scratch_operands = 0 : i64, tpu.core_type = #tpu.core_type<tc>, window_params = [{transform_indices = @transform_0, window_bounds = array<i64: 2048, 76>}, {transform_indices = @transform_1, window_bounds = array<i64: 2048, 3>}, {transform_indices = @transform_2, window_bounds = array<i64: 2048, 8>}]} {
    %get3A = arith.constant 0 : index
    %get3A_0 = arith.constant 0 : index
    %get3A_1 = vector.load %arg1[%get3A, %get3A_0] : memref<2048x76xf32, #tpu.memory_space<vmem>>, vector<2048x76xf32>
    %get3A_2 = arith.constant 0 : index
    %get3A_3 = arith.constant 0 : index
    %get3A_4 = vector.load %arg2[%get3A_2, %get3A_3] : memref<2048x3xf32, #tpu.memory_space<vmem>>, vector<2048x3xf32>
    %iota3A = tpu.iota {dimensions = array<i32: 1>} : vector<2048x12xi32>
    %slice3A = vector.extract_strided_slice %get3A_1 {offsets = [0, 0], sizes = [2048, 12], strides = [1, 1]} : vector<2048x76xf32> to vector<2048x12xf32>
    %reduce_max3A = arith.constant dense<0xFF800000> : vector<2048xf32>
    %reduce_max3A_5 = vector.multi_reduction <maximumf>, %slice3A, %reduce_max3A [1] : vector<2048x12xf32> to vector<2048xf32>
    %broadcast_in_dim3A = vector.shape_cast %reduce_max3A_5 : vector<2048xf32> to vector<2048x1xf32>
    %eq3A = vector.broadcast %broadcast_in_dim3A : vector<2048x1xf32> to vector<2048x12xf32>
    %eq3A_6 = arith.cmpf oeq, %slice3A, %eq3A : vector<2048x12xf32>
    %jit3A = arith.constant 12 : i32
    %broadcast_in_dim3A_7 = vector.broadcast %jit3A : i32 to vector<2048x12xi32>
    %select_n3A = arith.select %eq3A_6, %iota3A, %broadcast_in_dim3A_7 : vector<2048x12xi1>, vector<2048x12xi32>
    %reduce_min3A = arith.constant dense<2147483647> : vector<2048xi32>
    %reduce_min3A_8 = vector.multi_reduction <minsi>, %select_n3A, %reduce_min3A [1] : vector<2048x12xi32> to vector<2048xi32>
    %broadcast_in_dim3A_9 = vector.shape_cast %reduce_min3A_8 : vector<2048xi32> to vector<2048x1xi32>
    %slice3A_10 = vector.extract_strided_slice %get3A_1 {offsets = [0, 12], sizes = [2048, 12], strides = [1, 1]} : vector<2048x76xf32> to vector<2048x12xf32>
    %reduce_max3A_11 = arith.constant dense<0xFF800000> : vector<2048xf32>
    %reduce_max3A_12 = vector.multi_reduction <maximumf>, %slice3A_10, %reduce_max3A_11 [1] : vector<2048x12xf32> to vector<2048xf32>
    %broadcast_in_dim3A_13 = vector.shape_cast %reduce_max3A_12 : vector<2048xf32> to vector<2048x1xf32>
    %eq3A_14 = vector.broadcast %broadcast_in_dim3A_13 : vector<2048x1xf32> to vector<2048x12xf32>
    %eq3A_15 = arith.cmpf oeq, %slice3A_10, %eq3A_14 : vector<2048x12xf32>
    %jit3A_16 = arith.constant 12 : i32
    %broadcast_in_dim3A_17 = vector.broadcast %jit3A_16 : i32 to vector<2048x12xi32>
    %select_n3A_18 = arith.select %eq3A_15, %iota3A, %broadcast_in_dim3A_17 : vector<2048x12xi1>, vector<2048x12xi32>
    %reduce_min3A_19 = arith.constant dense<2147483647> : vector<2048xi32>
    %reduce_min3A_20 = vector.multi_reduction <minsi>, %select_n3A_18, %reduce_min3A_19 [1] : vector<2048x12xi32> to vector<2048xi32>
    %broadcast_in_dim3A_21 = vector.shape_cast %reduce_min3A_20 : vector<2048xi32> to vector<2048x1xi32>
    %slice3A_22 = vector.extract_strided_slice %get3A_1 {offsets = [0, 24], sizes = [2048, 12], strides = [1, 1]} : vector<2048x76xf32> to vector<2048x12xf32>
    %eq3A_23 = vector.broadcast %broadcast_in_dim3A_9 : vector<2048x1xi32> to vector<2048x12xi32>
    %eq3A_24 = arith.cmpi eq, %iota3A, %eq3A_23 : vector<2048x12xi32>
    %jit3A_25 = arith.constant 0.000000e+00 : f32
    %broadcast_in_dim3A_26 = vector.broadcast %jit3A_25 : f32 to vector<2048x12xf32>
    %select_n3A_27 = arith.select %eq3A_24, %slice3A_22, %broadcast_in_dim3A_26 : vector<2048x12xi1>, vector<2048x12xf32>
    %reduce_sum3A = arith.constant dense<0.000000e+00> : vector<2048xf32>
    %reduce_sum3A_28 = vector.multi_reduction <add>, %select_n3A_27, %reduce_sum3A [1] : vector<2048x12xf32> to vector<2048xf32>
    %broadcast_in_dim3A_29 = vector.shape_cast %reduce_sum3A_28 : vector<2048xf32> to vector<2048x1xf32>
    %mul3A = arith.constant 5.000000e-01 : f32
    %mul3A_30 = vector.broadcast %mul3A : f32 to vector<2048x1xf32>
    %mul3A_31 = arith.mulf %broadcast_in_dim3A_29, %mul3A_30 : vector<2048x1xf32>
    %slice3A_32 = vector.extract_strided_slice %get3A_1 {offsets = [0, 36], sizes = [2048, 12], strides = [1, 1]} : vector<2048x76xf32> to vector<2048x12xf32>
    %eq3A_33 = vector.broadcast %broadcast_in_dim3A_21 : vector<2048x1xi32> to vector<2048x12xi32>
    %eq3A_34 = arith.cmpi eq, %iota3A, %eq3A_33 : vector<2048x12xi32>
    %jit3A_35 = arith.constant 0.000000e+00 : f32
    %broadcast_in_dim3A_36 = vector.broadcast %jit3A_35 : f32 to vector<2048x12xf32>
    %select_n3A_37 = arith.select %eq3A_34, %slice3A_32, %broadcast_in_dim3A_36 : vector<2048x12xi1>, vector<2048x12xf32>
    %reduce_sum3A_38 = arith.constant dense<0.000000e+00> : vector<2048xf32>
    %reduce_sum3A_39 = vector.multi_reduction <add>, %select_n3A_37, %reduce_sum3A_38 [1] : vector<2048x12xf32> to vector<2048xf32>
    %broadcast_in_dim3A_40 = vector.shape_cast %reduce_sum3A_39 : vector<2048xf32> to vector<2048x1xf32>
    %mul3A_41 = arith.constant 5.000000e-01 : f32
    %mul3A_42 = vector.broadcast %mul3A_41 : f32 to vector<2048x1xf32>
    %mul3A_43 = arith.mulf %broadcast_in_dim3A_40, %mul3A_42 : vector<2048x1xf32>
    %convert_element_type3A = arith.sitofp %broadcast_in_dim3A_9 : vector<2048x1xi32> to vector<2048x1xf32>
    %mul3A_44 = arith.constant 5.000000e-01 : f32
    %mul3A_45 = vector.broadcast %mul3A_44 : f32 to vector<2048x1xf32>
    %mul3A_46 = arith.mulf %convert_element_type3A, %mul3A_45 : vector<2048x1xf32>
    %add3A = arith.constant 2.500000e-01 : f32
    %add3A_47 = vector.broadcast %add3A : f32 to vector<2048x1xf32>
    %add3A_48 = arith.addf %mul3A_46, %add3A_47 : vector<2048x1xf32>
    %sub3A = arith.constant 3.000000e+00 : f32
    %sub3A_49 = vector.broadcast %sub3A : f32 to vector<2048x1xf32>
    %sub3A_50 = arith.subf %add3A_48, %sub3A_49 : vector<2048x1xf32>
    %convert_element_type3A_51 = arith.sitofp %broadcast_in_dim3A_21 : vector<2048x1xi32> to vector<2048x1xf32>
    %mul3A_52 = arith.constant 5.000000e-01 : f32
    %mul3A_53 = vector.broadcast %mul3A_52 : f32 to vector<2048x1xf32>
    %mul3A_54 = arith.mulf %convert_element_type3A_51, %mul3A_53 : vector<2048x1xf32>
    %add3A_55 = arith.constant 2.500000e-01 : f32
    %add3A_56 = vector.broadcast %add3A_55 : f32 to vector<2048x1xf32>
    %add3A_57 = arith.addf %mul3A_54, %add3A_56 : vector<2048x1xf32>
    %sub3A_58 = arith.constant 3.000000e+00 : f32
    %sub3A_59 = vector.broadcast %sub3A_58 : f32 to vector<2048x1xf32>
    %sub3A_60 = arith.subf %add3A_57, %sub3A_59 : vector<2048x1xf32>
    %add3A_61 = arith.addf %sub3A_50, %mul3A_31 : vector<2048x1xf32>
    %slice3A_62 = vector.extract_strided_slice %get3A_4 {offsets = [0, 0], sizes = [2048, 1], strides = [1, 1]} : vector<2048x3xf32> to vector<2048x1xf32>
    %add3A_63 = arith.addf %add3A_61, %slice3A_62 : vector<2048x1xf32>
    %add3A_64 = arith.addf %sub3A_60, %mul3A_43 : vector<2048x1xf32>
    %slice3A_65 = vector.extract_strided_slice %get3A_4 {offsets = [0, 2], sizes = [2048, 1], strides = [1, 1]} : vector<2048x3xf32> to vector<2048x1xf32>
    %add3A_66 = arith.addf %add3A_64, %slice3A_65 : vector<2048x1xf32>
    %slice3A_67 = vector.extract_strided_slice %get3A_1 {offsets = [0, 49], sizes = [2048, 12], strides = [1, 1]} : vector<2048x76xf32> to vector<2048x12xf32>
    %reduce_max3A_68 = arith.constant dense<0xFF800000> : vector<2048xf32>
    %reduce_max3A_69 = vector.multi_reduction <maximumf>, %slice3A_67, %reduce_max3A_68 [1] : vector<2048x12xf32> to vector<2048xf32>
    %broadcast_in_dim3A_70 = vector.shape_cast %reduce_max3A_69 : vector<2048xf32> to vector<2048x1xf32>
    %eq3A_71 = vector.broadcast %broadcast_in_dim3A_70 : vector<2048x1xf32> to vector<2048x12xf32>
    %eq3A_72 = arith.cmpf oeq, %slice3A_67, %eq3A_71 : vector<2048x12xf32>
    %jit3A_73 = arith.constant 12 : i32
    %broadcast_in_dim3A_74 = vector.broadcast %jit3A_73 : i32 to vector<2048x12xi32>
    %select_n3A_75 = arith.select %eq3A_72, %iota3A, %broadcast_in_dim3A_74 : vector<2048x12xi1>, vector<2048x12xi32>
    %reduce_min3A_76 = arith.constant dense<2147483647> : vector<2048xi32>
    %reduce_min3A_77 = vector.multi_reduction <minsi>, %select_n3A_75, %reduce_min3A_76 [1] : vector<2048x12xi32> to vector<2048xi32>
    %broadcast_in_dim3A_78 = vector.shape_cast %reduce_min3A_77 : vector<2048xi32> to vector<2048x1xi32>
    %slice3A_79 = vector.extract_strided_slice %get3A_1 {offsets = [0, 61], sizes = [2048, 12], strides = [1, 1]} : vector<2048x76xf32> to vector<2048x12xf32>
    %eq3A_80 = vector.broadcast %broadcast_in_dim3A_78 : vector<2048x1xi32> to vector<2048x12xi32>
    %eq3A_81 = arith.cmpi eq, %iota3A, %eq3A_80 : vector<2048x12xi32>
    %jit3A_82 = arith.constant 0.000000e+00 : f32
    %broadcast_in_dim3A_83 = vector.broadcast %jit3A_82 : f32 to vector<2048x12xf32>
    %select_n3A_84 = arith.select %eq3A_81, %slice3A_79, %broadcast_in_dim3A_83 : vector<2048x12xi1>, vector<2048x12xf32>
    %reduce_sum3A_85 = arith.constant dense<0.000000e+00> : vector<2048xf32>
    %reduce_sum3A_86 = vector.multi_reduction <add>, %select_n3A_84, %reduce_sum3A_85 [1] : vector<2048x12xf32> to vector<2048xf32>
    %broadcast_in_dim3A_87 = vector.shape_cast %reduce_sum3A_86 : vector<2048xf32> to vector<2048x1xf32>
    %convert_element_type3A_88 = arith.sitofp %broadcast_in_dim3A_78 : vector<2048x1xi32> to vector<2048x1xf32>
    %mul3A_89 = arith.constant 0.52359879 : f32
    %mul3A_90 = vector.broadcast %mul3A_89 : f32 to vector<2048x1xf32>
    %mul3A_91 = arith.mulf %convert_element_type3A_88, %mul3A_90 : vector<2048x1xf32>
    %mul3A_92 = arith.constant 0.261799395 : f32
    %mul3A_93 = vector.broadcast %mul3A_92 : f32 to vector<2048x1xf32>
    %mul3A_94 = arith.mulf %broadcast_in_dim3A_87, %mul3A_93 : vector<2048x1xf32>
    %add3A_95 = arith.addf %mul3A_91, %mul3A_94 : vector<2048x1xf32>
    %div3A = arith.constant 6.28318548 : f32
    %div3A_96 = vector.broadcast %div3A : f32 to vector<2048x1xf32>
    %div3A_97 = arith.divf %add3A_95, %div3A_96 : vector<2048x1xf32>
    %floor3A = math.floor %div3A_97 : vector<2048x1xf32>
    %mul3A_98 = arith.constant 6.28318548 : f32
    %mul3A_99 = vector.broadcast %mul3A_98 : f32 to vector<2048x1xf32>
    %mul3A_100 = arith.mulf %floor3A, %mul3A_99 : vector<2048x1xf32>
    %sub3A_101 = arith.subf %add3A_95, %mul3A_100 : vector<2048x1xf32>
    %gt3A = arith.constant 3.14159274 : f32
    %gt3A_102 = vector.broadcast %gt3A : f32 to vector<2048x1xf32>
    %gt3A_103 = arith.cmpf ogt, %sub3A_101, %gt3A_102 : vector<2048x1xf32>
    %sub3A_104 = arith.constant 6.28318548 : f32
    %sub3A_105 = vector.broadcast %sub3A_104 : f32 to vector<2048x1xf32>
    %sub3A_106 = arith.subf %sub3A_101, %sub3A_105 : vector<2048x1xf32>
    %select_n3A_107 = arith.select %gt3A_103, %sub3A_106, %sub3A_101 : vector<2048x1xi1>, vector<2048x1xf32>
    %slice3A_108 = vector.extract_strided_slice %get3A_1 {offsets = [0, 73], sizes = [2048, 1], strides = [1, 1]} : vector<2048x76xf32> to vector<2048x1xf32>
    %mul3A_109 = arith.constant 1.5256319 : f32
    %mul3A_110 = vector.broadcast %mul3A_109 : f32 to vector<2048x1xf32>
    %mul3A_111 = arith.mulf %slice3A_108, %mul3A_110 : vector<2048x1xf32>
    %add3A_112 = arith.constant 1.5256319 : f32
    %add3A_113 = vector.broadcast %add3A_112 : f32 to vector<2048x1xf32>
    %add3A_114 = arith.addf %mul3A_111, %add3A_113 : vector<2048x1xf32>
    %slice3A_115 = vector.extract_strided_slice %get3A_1 {offsets = [0, 74], sizes = [2048, 1], strides = [1, 1]} : vector<2048x76xf32> to vector<2048x1xf32>
    %mul3A_116 = arith.constant 1.62856746 : f32
    %mul3A_117 = vector.broadcast %mul3A_116 : f32 to vector<2048x1xf32>
    %mul3A_118 = arith.mulf %slice3A_115, %mul3A_117 : vector<2048x1xf32>
    %add3A_119 = arith.constant 1.62856746 : f32
    %add3A_120 = vector.broadcast %add3A_119 : f32 to vector<2048x1xf32>
    %add3A_121 = arith.addf %mul3A_118, %add3A_120 : vector<2048x1xf32>
    %slice3A_122 = vector.extract_strided_slice %get3A_1 {offsets = [0, 75], sizes = [2048, 1], strides = [1, 1]} : vector<2048x76xf32> to vector<2048x1xf32>
    %mul3A_123 = arith.constant 3.88311648 : f32
    %mul3A_124 = vector.broadcast %mul3A_123 : f32 to vector<2048x1xf32>
    %mul3A_125 = arith.mulf %slice3A_122, %mul3A_124 : vector<2048x1xf32>
    %add3A_126 = arith.constant 3.88311648 : f32
    %add3A_127 = vector.broadcast %add3A_126 : f32 to vector<2048x1xf32>
    %add3A_128 = arith.addf %mul3A_125, %add3A_127 : vector<2048x1xf32>
    %slice3A_129 = vector.extract_strided_slice %get3A_4 {offsets = [0, 1], sizes = [2048, 1], strides = [1, 1]} : vector<2048x3xf32> to vector<2048x1xf32>
    %slice3A_130 = vector.extract_strided_slice %get3A_1 {offsets = [0, 48], sizes = [2048, 1], strides = [1, 1]} : vector<2048x76xf32> to vector<2048x1xf32>
    %add3A_131 = arith.addf %slice3A_129, %slice3A_130 : vector<2048x1xf32>
    %mul3A_132 = arith.constant 5.000000e-01 : f32
    %mul3A_133 = vector.broadcast %mul3A_132 : f32 to vector<2048x1xf32>
    %mul3A_134 = arith.mulf %add3A_114, %mul3A_133 : vector<2048x1xf32>
    %add3A_135 = arith.addf %add3A_131, %mul3A_134 : vector<2048x1xf32>
    %swap3A = arith.constant 0 : index
    %swap3A_136 = arith.constant 0 : index
    %swap3A_137 = vector.load %arg3[%swap3A, %swap3A_136] : memref<2048x8xf32, #tpu.memory_space<vmem>>, vector<2048x1xf32>
    tpu.vector_store %arg3[%swap3A, %swap3A_136], %add3A_63 {strides = array<i32>} : memref<2048x8xf32, #tpu.memory_space<vmem>>, vector<2048x1xf32>,
    %swap3A_138 = arith.constant 0 : index
    %swap3A_139 = arith.constant 1 : index
    %swap3A_140 = vector.load %arg3[%swap3A_138, %swap3A_139] : memref<2048x8xf32, #tpu.memory_space<vmem>>, vector<2048x1xf32>
    tpu.vector_store %arg3[%swap3A_138, %swap3A_139], %add3A_135 {strides = array<i32>} : memref<2048x8xf32, #tpu.memory_space<vmem>>, vector<2048x1xf32>,
    %swap3A_141 = arith.constant 0 : index
    %swap3A_142 = arith.constant 2 : index
    %swap3A_143 = vector.load %arg3[%swap3A_141, %swap3A_142] : memref<2048x8xf32, #tpu.memory_space<vmem>>, vector<2048x1xf32>
    tpu.vector_store %arg3[%swap3A_141, %swap3A_142], %add3A_66 {strides = array<i32>} : memref<2048x8xf32, #tpu.memory_space<vmem>>, vector<2048x1xf32>,
    %swap3A_144 = arith.constant 0 : index
    %swap3A_145 = arith.constant 3 : index
    %swap3A_146 = vector.load %arg3[%swap3A_144, %swap3A_145] : memref<2048x8xf32, #tpu.memory_space<vmem>>, vector<2048x1xf32>
    tpu.vector_store %arg3[%swap3A_144, %swap3A_145], %add3A_114 {strides = array<i32>} : memref<2048x8xf32, #tpu.memory_space<vmem>>, vector<2048x1xf32>,
    %swap3A_147 = arith.constant 0 : index
    %swap3A_148 = arith.constant 4 : index
    %swap3A_149 = vector.load %arg3[%swap3A_147, %swap3A_148] : memref<2048x8xf32, #tpu.memory_space<vmem>>, vector<2048x1xf32>
    tpu.vector_store %arg3[%swap3A_147, %swap3A_148], %add3A_121 {strides = array<i32>} : memref<2048x8xf32, #tpu.memory_space<vmem>>, vector<2048x1xf32>,
    %swap3A_150 = arith.constant 0 : index
    %swap3A_151 = arith.constant 5 : index
    %swap3A_152 = vector.load %arg3[%swap3A_150, %swap3A_151] : memref<2048x8xf32, #tpu.memory_space<vmem>>, vector<2048x1xf32>
    tpu.vector_store %arg3[%swap3A_150, %swap3A_151], %add3A_128 {strides = array<i32>} : memref<2048x8xf32, #tpu.memory_space<vmem>>, vector<2048x1xf32>,
    %swap3A_153 = arith.constant 0 : index
    %swap3A_154 = arith.constant 6 : index
    %swap3A_155 = vector.load %arg3[%swap3A_153, %swap3A_154] : memref<2048x8xf32, #tpu.memory_space<vmem>>, vector<2048x1xf32>
    tpu.vector_store %arg3[%swap3A_153, %swap3A_154], %select_n3A_107 {strides = array<i32>} : memref<2048x8xf32, #tpu.memory_space<vmem>>, vector<2048x1xf32>,
    %broadcast_in_dim3A_156 = arith.constant 0.000000e+00 : f32
    %broadcast_in_dim3A_157 = vector.broadcast %broadcast_in_dim3A_156 : f32 to vector<2048x1xf32>
    %swap3A_158 = arith.constant 0 : index
    %swap3A_159 = arith.constant 7 : index
    %swap3A_160 = vector.load %arg3[%swap3A_158, %swap3A_159] : memref<2048x8xf32, #tpu.memory_space<vmem>>, vector<2048x1xf32>
    tpu.vector_store %arg3[%swap3A_158, %swap3A_159], %broadcast_in_dim3A_157 {strides = array<i32>} : memref<2048x8xf32, #tpu.memory_space<vmem>>, vector<2048x1xf32>,
    return
  }
  func.func @transform_0(%arg0: i32) -> (i32, i32) {
    %c0_i32 = arith.constant 0 : i32
    %c0_i32_0 = arith.constant 0 : i32
    return %arg0, %c0_i32 : i32, i32
  }
  func.func @transform_1(%arg0: i32) -> (i32, i32) {
    %c0_i32 = arith.constant 0 : i32
    %c0_i32_0 = arith.constant 0 : i32
    return %arg0, %c0_i32 : i32, i32
  }
  func.func @transform_2(%arg0: i32) -> (i32, i32) {
    %c0_i32 = arith.constant 0 : i32
    %c0_i32_0 = arith.constant 0 : i32
    return %arg0, %c0_i32 : i32, i32
  }
}

module attributes {stable_mosaic.version = 14 : i64} {
  func.func @_nms_body(%arg0: i32, %arg1: memref<1x50x128xf32, #tpu.memory_space<vmem>>, %arg2: memref<1x50x128xf32, #tpu.memory_space<vmem>>, %arg3: memref<1x50x128xf32, #tpu.memory_space<vmem>>, %arg4: memref<1x50x128xf32, #tpu.memory_space<vmem>>, %arg5: memref<1x50x128xi32, #tpu.memory_space<vmem>>, %arg6: memref<1x50x128xi32, #tpu.memory_space<vmem>>) attributes {dimension_semantics = [#tpu.dimension_semantics<arbitrary>], iteration_bounds = array<i64: 4>, scalar_prefetch = 0 : i64, scratch_operands = 0 : i64, tpu.core_type = #tpu.core_type<tc>, window_params = [{transform_indices = @transform_0, window_bounds = array<i64: 1, 50, 128>}, {transform_indices = @transform_1, window_bounds = array<i64: 1, 50, 128>}, {transform_indices = @transform_2, window_bounds = array<i64: 1, 50, 128>}, {transform_indices = @transform_3, window_bounds = array<i64: 1, 50, 128>}, {transform_indices = @transform_4, window_bounds = array<i64: 1, 50, 128>}, {transform_indices = @transform_5, window_bounds = array<i64: 1, 50, 128>}]} {
    %get3A = arith.constant 0 : index
    %get3A_0 = arith.constant 0 : index
    %get3A_1 = arith.constant 0 : index
    %get3A_2 = vector.load %arg1[%get3A, %get3A_0, %get3A_1] : memref<1x50x128xf32, #tpu.memory_space<vmem>>, vector<1x50x128xf32>
    %get3A_3 = vector.shape_cast %get3A_2 : vector<1x50x128xf32> to vector<50x128xf32>
    %get3A_4 = arith.constant 0 : index
    %get3A_5 = arith.constant 0 : index
    %get3A_6 = arith.constant 0 : index
    %get3A_7 = vector.load %arg2[%get3A_4, %get3A_5, %get3A_6] : memref<1x50x128xf32, #tpu.memory_space<vmem>>, vector<1x50x128xf32>
    %get3A_8 = vector.shape_cast %get3A_7 : vector<1x50x128xf32> to vector<50x128xf32>
    %get3A_9 = arith.constant 0 : index
    %get3A_10 = arith.constant 0 : index
    %get3A_11 = arith.constant 0 : index
    %get3A_12 = vector.load %arg3[%get3A_9, %get3A_10, %get3A_11] : memref<1x50x128xf32, #tpu.memory_space<vmem>>, vector<1x50x128xf32>
    %get3A_13 = vector.shape_cast %get3A_12 : vector<1x50x128xf32> to vector<50x128xf32>
    %get3A_14 = arith.constant 0 : index
    %get3A_15 = arith.constant 0 : index
    %get3A_16 = arith.constant 0 : index
    %get3A_17 = vector.load %arg4[%get3A_14, %get3A_15, %get3A_16] : memref<1x50x128xf32, #tpu.memory_space<vmem>>, vector<1x50x128xf32>
    %get3A_18 = vector.shape_cast %get3A_17 : vector<1x50x128xf32> to vector<50x128xf32>
    %get3A_19 = arith.constant 0 : index
    %get3A_20 = arith.constant 0 : index
    %get3A_21 = arith.constant 0 : index
    %get3A_22 = vector.load %arg5[%get3A_19, %get3A_20, %get3A_21] : memref<1x50x128xi32, #tpu.memory_space<vmem>>, vector<1x50x128xi32>
    %get3A_23 = vector.shape_cast %get3A_22 : vector<1x50x128xi32> to vector<50x128xi32>
    %gt3A = arith.constant 0 : i32
    %gt3A_24 = vector.broadcast %gt3A : i32 to vector<50x128xi32>
    %gt3A_25 = arith.cmpi sgt, %get3A_23, %gt3A_24 : vector<50x128xi32>
    %iota3A = tpu.iota {dimensions = array<i32: 0>} : vector<50x128xi32>
    %mul3A = arith.constant 128 : i32
    %mul3A_26 = vector.broadcast %mul3A : i32 to vector<50x128xi32>
    %mul3A_27 = arith.muli %iota3A, %mul3A_26 : vector<50x128xi32>
    %iota3A_28 = tpu.iota {dimensions = array<i32: 1>} : vector<50x128xi32>
    %add3A = arith.addi %mul3A_27, %iota3A_28 : vector<50x128xi32>
    %sub3A = arith.subf %get3A_13, %get3A_3 : vector<50x128xf32>
    %sub3A_29 = arith.subf %get3A_18, %get3A_8 : vector<50x128xf32>
    %mul3A_30 = arith.mulf %sub3A, %sub3A_29 : vector<50x128xf32>
    %broadcast_in_dim3A = arith.constant 0 : i32
    %broadcast_in_dim3A_31 = vector.broadcast %broadcast_in_dim3A : i32 to vector<50x128xi32>
    %scan3A = arith.constant 1048576 : i32
    %scan3A_32 = arith.constant -1.000000e+30 : f32
    %scan3A_33 = arith.constant 0 : i32
    %scan3A_34 = arith.constant 358 : i32
    %scan3A_35 = arith.addi %scan3A_33, %scan3A_34 : i32
    %scan3A_36 = arith.constant 1 : i32
    %scan3A_37:2 = scf.for %scan3A_43 = %scan3A_33 to %scan3A_35 step %scan3A_36 iter_args(%scan3A_44 = %broadcast_in_dim3A_31, %scan3A_45 = %broadcast_in_dim3A_31) -> (vector<50x128xi32>, vector<50x128xi32>)  : i32 {
      %eq3A = arith.constant 0 : i32
      %eq3A_46 = vector.broadcast %eq3A : i32 to vector<50x128xi32>
      %eq3A_47 = arith.cmpi eq, %scan3A_45, %eq3A_46 : vector<50x128xi32>
      %and3A = arith.andi %gt3A_25, %eq3A_47 : vector<50x128xi1>
      %broadcast_in_dim3A_48 = vector.broadcast %scan3A : i32 to vector<50x128xi32>
      %select_n3A = arith.select %and3A, %add3A, %broadcast_in_dim3A_48 : vector<50x128xi1>, vector<50x128xi32>
      %reduce_min3A = vector.shape_cast %select_n3A : vector<50x128xi32> to vector<1x50x128xi32>
      %reduce_min3A_49 = arith.constant dense<2147483647> : vector<1xi32>
      %reduce_min3A_50 = vector.multi_reduction <minsi>, %reduce_min3A, %reduce_min3A_49 [1, 2] : vector<1x50x128xi32> to vector<1xi32>
      %reduce_min3A_51 = vector.shape_cast %reduce_min3A_50 : vector<1xi32> to vector<1x1x1xi32>
      %reduce_min3A_52 = vector.extract %reduce_min3A_51[0, 0, 0] : i32 from vector<1x1x1xi32>
      %eq3A_53 = vector.broadcast %reduce_min3A_52 : i32 to vector<50x128xi32>
      %eq3A_54 = arith.cmpi eq, %add3A, %eq3A_53 : vector<50x128xi32>
      %broadcast_in_dim3A_55 = vector.broadcast %scan3A_32 : f32 to vector<50x128xf32>
      %select_n3A_56 = arith.select %eq3A_54, %get3A_3, %broadcast_in_dim3A_55 : vector<50x128xi1>, vector<50x128xf32>
      %reduce_max3A = vector.shape_cast %select_n3A_56 : vector<50x128xf32> to vector<1x50x128xf32>
      %reduce_max3A_57 = arith.constant dense<0xFF800000> : vector<1xf32>
      %reduce_max3A_58 = vector.multi_reduction <maximumf>, %reduce_max3A, %reduce_max3A_57 [1, 2] : vector<1x50x128xf32> to vector<1xf32>
      %reduce_max3A_59 = vector.shape_cast %reduce_max3A_58 : vector<1xf32> to vector<1x1x1xf32>
      %reduce_max3A_60 = vector.extract %reduce_max3A_59[0, 0, 0] : f32 from vector<1x1x1xf32>
      %broadcast_in_dim3A_61 = vector.broadcast %scan3A_32 : f32 to vector<50x128xf32>
      %select_n3A_62 = arith.select %eq3A_54, %get3A_8, %broadcast_in_dim3A_61 : vector<50x128xi1>, vector<50x128xf32>
      %reduce_max3A_63 = vector.shape_cast %select_n3A_62 : vector<50x128xf32> to vector<1x50x128xf32>
      %reduce_max3A_64 = arith.constant dense<0xFF800000> : vector<1xf32>
      %reduce_max3A_65 = vector.multi_reduction <maximumf>, %reduce_max3A_63, %reduce_max3A_64 [1, 2] : vector<1x50x128xf32> to vector<1xf32>
      %reduce_max3A_66 = vector.shape_cast %reduce_max3A_65 : vector<1xf32> to vector<1x1x1xf32>
      %reduce_max3A_67 = vector.extract %reduce_max3A_66[0, 0, 0] : f32 from vector<1x1x1xf32>
      %broadcast_in_dim3A_68 = vector.broadcast %scan3A_32 : f32 to vector<50x128xf32>
      %select_n3A_69 = arith.select %eq3A_54, %get3A_13, %broadcast_in_dim3A_68 : vector<50x128xi1>, vector<50x128xf32>
      %reduce_max3A_70 = vector.shape_cast %select_n3A_69 : vector<50x128xf32> to vector<1x50x128xf32>
      %reduce_max3A_71 = arith.constant dense<0xFF800000> : vector<1xf32>
      %reduce_max3A_72 = vector.multi_reduction <maximumf>, %reduce_max3A_70, %reduce_max3A_71 [1, 2] : vector<1x50x128xf32> to vector<1xf32>
      %reduce_max3A_73 = vector.shape_cast %reduce_max3A_72 : vector<1xf32> to vector<1x1x1xf32>
      %reduce_max3A_74 = vector.extract %reduce_max3A_73[0, 0, 0] : f32 from vector<1x1x1xf32>
      %broadcast_in_dim3A_75 = vector.broadcast %scan3A_32 : f32 to vector<50x128xf32>
      %select_n3A_76 = arith.select %eq3A_54, %get3A_18, %broadcast_in_dim3A_75 : vector<50x128xi1>, vector<50x128xf32>
      %reduce_max3A_77 = vector.shape_cast %select_n3A_76 : vector<50x128xf32> to vector<1x50x128xf32>
      %reduce_max3A_78 = arith.constant dense<0xFF800000> : vector<1xf32>
      %reduce_max3A_79 = vector.multi_reduction <maximumf>, %reduce_max3A_77, %reduce_max3A_78 [1, 2] : vector<1x50x128xf32> to vector<1xf32>
      %reduce_max3A_80 = vector.shape_cast %reduce_max3A_79 : vector<1xf32> to vector<1x1x1xf32>
      %reduce_max3A_81 = vector.extract %reduce_max3A_80[0, 0, 0] : f32 from vector<1x1x1xf32>
      %broadcast_in_dim3A_82 = vector.broadcast %scan3A_32 : f32 to vector<50x128xf32>
      %select_n3A_83 = arith.select %eq3A_54, %mul3A_30, %broadcast_in_dim3A_82 : vector<50x128xi1>, vector<50x128xf32>
      %reduce_max3A_84 = vector.shape_cast %select_n3A_83 : vector<50x128xf32> to vector<1x50x128xf32>
      %reduce_max3A_85 = arith.constant dense<0xFF800000> : vector<1xf32>
      %reduce_max3A_86 = vector.multi_reduction <maximumf>, %reduce_max3A_84, %reduce_max3A_85 [1, 2] : vector<1x50x128xf32> to vector<1xf32>
      %reduce_max3A_87 = vector.shape_cast %reduce_max3A_86 : vector<1xf32> to vector<1x1x1xf32>
      %reduce_max3A_88 = vector.extract %reduce_max3A_87[0, 0, 0] : f32 from vector<1x1x1xf32>
      %min3A = vector.broadcast %reduce_max3A_74 : f32 to vector<50x128xf32>
      %min3A_89 = arith.minimumf %min3A, %get3A_13 : vector<50x128xf32>
      %max3A = vector.broadcast %reduce_max3A_60 : f32 to vector<50x128xf32>
      %max3A_90 = arith.maximumf %max3A, %get3A_3 : vector<50x128xf32>
      %sub3A_91 = arith.subf %min3A_89, %max3A_90 : vector<50x128xf32>
      %max3A_92 = arith.constant 0.000000e+00 : f32
      %max3A_93 = vector.broadcast %max3A_92 : f32 to vector<50x128xf32>
      %max3A_94 = arith.maximumf %sub3A_91, %max3A_93 : vector<50x128xf32>
      %min3A_95 = vector.broadcast %reduce_max3A_81 : f32 to vector<50x128xf32>
      %min3A_96 = arith.minimumf %min3A_95, %get3A_18 : vector<50x128xf32>
      %max3A_97 = vector.broadcast %reduce_max3A_67 : f32 to vector<50x128xf32>
      %max3A_98 = arith.maximumf %max3A_97, %get3A_8 : vector<50x128xf32>
      %sub3A_99 = arith.subf %min3A_96, %max3A_98 : vector<50x128xf32>
      %max3A_100 = arith.constant 0.000000e+00 : f32
      %max3A_101 = vector.broadcast %max3A_100 : f32 to vector<50x128xf32>
      %max3A_102 = arith.maximumf %sub3A_99, %max3A_101 : vector<50x128xf32>
      %mul3A_103 = arith.mulf %max3A_94, %max3A_102 : vector<50x128xf32>
      %add3A_104 = vector.broadcast %reduce_max3A_88 : f32 to vector<50x128xf32>
      %add3A_105 = arith.addf %add3A_104, %mul3A_30 : vector<50x128xf32>
      %sub3A_106 = arith.subf %add3A_105, %mul3A_103 : vector<50x128xf32>
      %max3A_107 = arith.constant 9.99999996E-13 : f32
      %max3A_108 = vector.broadcast %max3A_107 : f32 to vector<50x128xf32>
      %max3A_109 = arith.maximumf %sub3A_106, %max3A_108 : vector<50x128xf32>
      %div3A = arith.divf %mul3A_103, %max3A_109 : vector<50x128xf32>
      %gt3A_110 = arith.constant 8.000000e-01 : f32
      %gt3A_111 = vector.broadcast %gt3A_110 : f32 to vector<50x128xf32>
      %gt3A_112 = arith.cmpf ogt, %div3A, %gt3A_111 : vector<50x128xf32>
      %gt3A_113 = vector.broadcast %reduce_min3A_52 : i32 to vector<50x128xi32>
      %gt3A_114 = arith.cmpi sgt, %add3A, %gt3A_113 : vector<50x128xi32>
      %and3A_115 = arith.andi %gt3A_112, %gt3A_114 : vector<50x128xi1>
      %or3A = arith.ori %eq3A_54, %and3A_115 : vector<50x128xi1>
      %jit3A = arith.constant 1 : i32
      %jit3A_116 = arith.constant 0 : i32
      %broadcast_in_dim3A_117 = vector.broadcast %jit3A : i32 to vector<50x128xi32>
      %broadcast_in_dim3A_118 = vector.broadcast %jit3A_116 : i32 to vector<50x128xi32>
      %select_n3A_119 = arith.select %or3A, %broadcast_in_dim3A_117, %broadcast_in_dim3A_118 : vector<50x128xi1>, vector<50x128xi32>
      %max3A_120 = arith.maxsi %scan3A_45, %select_n3A_119 : vector<50x128xi32>
      %jit3A_121 = arith.constant 1 : i32
      %jit3A_122 = arith.constant 0 : i32
      %broadcast_in_dim3A_123 = vector.broadcast %jit3A_121 : i32 to vector<50x128xi32>
      %broadcast_in_dim3A_124 = vector.broadcast %jit3A_122 : i32 to vector<50x128xi32>
      %select_n3A_125 = arith.select %eq3A_54, %broadcast_in_dim3A_123, %broadcast_in_dim3A_124 : vector<50x128xi1>, vector<50x128xi32>
      %max3A_126 = arith.maxsi %scan3A_44, %select_n3A_125 : vector<50x128xi32>
      scf.yield %max3A_126, %max3A_120 : vector<50x128xi32>, vector<50x128xi32>
    }
    %swap3A = arith.constant 0 : index
    %swap3A_38 = arith.constant 0 : index
    %swap3A_39 = arith.constant 0 : index
    %swap3A_40 = vector.load %arg6[%swap3A, %swap3A_38, %swap3A_39] : memref<1x50x128xi32, #tpu.memory_space<vmem>>, vector<1x50x128xi32>
    %swap3A_41 = vector.shape_cast %swap3A_40 : vector<1x50x128xi32> to vector<50x128xi32>
    %swap3A_42 = vector.shape_cast %scan3A_37#0 : vector<50x128xi32> to vector<1x50x128xi32>
    tpu.vector_store %arg6[%swap3A, %swap3A_38, %swap3A_39], %swap3A_42 {strides = array<i32>} : memref<1x50x128xi32, #tpu.memory_space<vmem>>, vector<1x50x128xi32>,
    return
  }
  func.func @transform_0(%arg0: i32) -> (i32, i32, i32) {
    %c0_i32 = arith.constant 0 : i32
    %c0_i32_0 = arith.constant 0 : i32
    %c0_i32_1 = arith.constant 0 : i32
    return %arg0, %c0_i32, %c0_i32_0 : i32, i32, i32
  }
  func.func @transform_1(%arg0: i32) -> (i32, i32, i32) {
    %c0_i32 = arith.constant 0 : i32
    %c0_i32_0 = arith.constant 0 : i32
    %c0_i32_1 = arith.constant 0 : i32
    return %arg0, %c0_i32, %c0_i32_0 : i32, i32, i32
  }
  func.func @transform_2(%arg0: i32) -> (i32, i32, i32) {
    %c0_i32 = arith.constant 0 : i32
    %c0_i32_0 = arith.constant 0 : i32
    %c0_i32_1 = arith.constant 0 : i32
    return %arg0, %c0_i32, %c0_i32_0 : i32, i32, i32
  }
  func.func @transform_3(%arg0: i32) -> (i32, i32, i32) {
    %c0_i32 = arith.constant 0 : i32
    %c0_i32_0 = arith.constant 0 : i32
    %c0_i32_1 = arith.constant 0 : i32
    return %arg0, %c0_i32, %c0_i32_0 : i32, i32, i32
  }
  func.func @transform_4(%arg0: i32) -> (i32, i32, i32) {
    %c0_i32 = arith.constant 0 : i32
    %c0_i32_0 = arith.constant 0 : i32
    %c0_i32_1 = arith.constant 0 : i32
    return %arg0, %c0_i32, %c0_i32_0 : i32, i32, i32
  }
  func.func @transform_5(%arg0: i32) -> (i32, i32, i32) {
    %c0_i32 = arith.constant 0 : i32
    %c0_i32_0 = arith.constant 0 : i32
    %c0_i32_1 = arith.constant 0 : i32
    return %arg0, %c0_i32, %c0_i32_0 : i32, i32, i32
  }
}

module attributes {stable_mosaic.version = 14 : i64} {
  func.func @_nms_body(%arg0: i32, %arg1: memref<1x79x128xf32, #tpu.memory_space<vmem>>, %arg2: memref<1x79x128xf32, #tpu.memory_space<vmem>>, %arg3: memref<1x79x128xf32, #tpu.memory_space<vmem>>, %arg4: memref<1x79x128xf32, #tpu.memory_space<vmem>>, %arg5: memref<1x79x128xi32, #tpu.memory_space<vmem>>, %arg6: memref<1x79x128xi32, #tpu.memory_space<vmem>>) attributes {dimension_semantics = [#tpu.dimension_semantics<arbitrary>], iteration_bounds = array<i64: 4>, scalar_prefetch = 0 : i64, scratch_operands = 0 : i64, tpu.core_type = #tpu.core_type<tc>, window_params = [{transform_indices = @transform_0, window_bounds = array<i64: 1, 79, 128>}, {transform_indices = @transform_1, window_bounds = array<i64: 1, 79, 128>}, {transform_indices = @transform_2, window_bounds = array<i64: 1, 79, 128>}, {transform_indices = @transform_3, window_bounds = array<i64: 1, 79, 128>}, {transform_indices = @transform_4, window_bounds = array<i64: 1, 79, 128>}, {transform_indices = @transform_5, window_bounds = array<i64: 1, 79, 128>}]} {
    %get3A = arith.constant 0 : index
    %get3A_0 = arith.constant 0 : index
    %get3A_1 = arith.constant 0 : index
    %get3A_2 = vector.load %arg1[%get3A, %get3A_0, %get3A_1] : memref<1x79x128xf32, #tpu.memory_space<vmem>>, vector<1x79x128xf32>
    %get3A_3 = vector.shape_cast %get3A_2 : vector<1x79x128xf32> to vector<79x128xf32>
    %get3A_4 = arith.constant 0 : index
    %get3A_5 = arith.constant 0 : index
    %get3A_6 = arith.constant 0 : index
    %get3A_7 = vector.load %arg2[%get3A_4, %get3A_5, %get3A_6] : memref<1x79x128xf32, #tpu.memory_space<vmem>>, vector<1x79x128xf32>
    %get3A_8 = vector.shape_cast %get3A_7 : vector<1x79x128xf32> to vector<79x128xf32>
    %get3A_9 = arith.constant 0 : index
    %get3A_10 = arith.constant 0 : index
    %get3A_11 = arith.constant 0 : index
    %get3A_12 = vector.load %arg3[%get3A_9, %get3A_10, %get3A_11] : memref<1x79x128xf32, #tpu.memory_space<vmem>>, vector<1x79x128xf32>
    %get3A_13 = vector.shape_cast %get3A_12 : vector<1x79x128xf32> to vector<79x128xf32>
    %get3A_14 = arith.constant 0 : index
    %get3A_15 = arith.constant 0 : index
    %get3A_16 = arith.constant 0 : index
    %get3A_17 = vector.load %arg4[%get3A_14, %get3A_15, %get3A_16] : memref<1x79x128xf32, #tpu.memory_space<vmem>>, vector<1x79x128xf32>
    %get3A_18 = vector.shape_cast %get3A_17 : vector<1x79x128xf32> to vector<79x128xf32>
    %get3A_19 = arith.constant 0 : index
    %get3A_20 = arith.constant 0 : index
    %get3A_21 = arith.constant 0 : index
    %get3A_22 = vector.load %arg5[%get3A_19, %get3A_20, %get3A_21] : memref<1x79x128xi32, #tpu.memory_space<vmem>>, vector<1x79x128xi32>
    %get3A_23 = vector.shape_cast %get3A_22 : vector<1x79x128xi32> to vector<79x128xi32>
    %gt3A = arith.constant 0 : i32
    %gt3A_24 = vector.broadcast %gt3A : i32 to vector<79x128xi32>
    %gt3A_25 = arith.cmpi sgt, %get3A_23, %gt3A_24 : vector<79x128xi32>
    %iota3A = tpu.iota {dimensions = array<i32: 0>} : vector<79x128xi32>
    %mul3A = arith.constant 128 : i32
    %mul3A_26 = vector.broadcast %mul3A : i32 to vector<79x128xi32>
    %mul3A_27 = arith.muli %iota3A, %mul3A_26 : vector<79x128xi32>
    %iota3A_28 = tpu.iota {dimensions = array<i32: 1>} : vector<79x128xi32>
    %add3A = arith.addi %mul3A_27, %iota3A_28 : vector<79x128xi32>
    %sub3A = arith.subf %get3A_13, %get3A_3 : vector<79x128xf32>
    %sub3A_29 = arith.subf %get3A_18, %get3A_8 : vector<79x128xf32>
    %mul3A_30 = arith.mulf %sub3A, %sub3A_29 : vector<79x128xf32>
    %broadcast_in_dim3A = arith.constant 0 : i32
    %broadcast_in_dim3A_31 = vector.broadcast %broadcast_in_dim3A : i32 to vector<79x128xi32>
    %scan3A = arith.constant 1048576 : i32
    %scan3A_32 = arith.constant -1.000000e+30 : f32
    %scan3A_33 = arith.constant 0 : i32
    %scan3A_34 = arith.constant 154 : i32
    %scan3A_35 = arith.addi %scan3A_33, %scan3A_34 : i32
    %scan3A_36 = arith.constant 1 : i32
    %scan3A_37:2 = scf.for %scan3A_43 = %scan3A_33 to %scan3A_35 step %scan3A_36 iter_args(%scan3A_44 = %broadcast_in_dim3A_31, %scan3A_45 = %broadcast_in_dim3A_31) -> (vector<79x128xi32>, vector<79x128xi32>)  : i32 {
      %eq3A = arith.constant 0 : i32
      %eq3A_46 = vector.broadcast %eq3A : i32 to vector<79x128xi32>
      %eq3A_47 = arith.cmpi eq, %scan3A_45, %eq3A_46 : vector<79x128xi32>
      %and3A = arith.andi %gt3A_25, %eq3A_47 : vector<79x128xi1>
      %broadcast_in_dim3A_48 = vector.broadcast %scan3A : i32 to vector<79x128xi32>
      %select_n3A = arith.select %and3A, %add3A, %broadcast_in_dim3A_48 : vector<79x128xi1>, vector<79x128xi32>
      %reduce_min3A = vector.shape_cast %select_n3A : vector<79x128xi32> to vector<1x79x128xi32>
      %reduce_min3A_49 = arith.constant dense<2147483647> : vector<1xi32>
      %reduce_min3A_50 = vector.multi_reduction <minsi>, %reduce_min3A, %reduce_min3A_49 [1, 2] : vector<1x79x128xi32> to vector<1xi32>
      %reduce_min3A_51 = vector.shape_cast %reduce_min3A_50 : vector<1xi32> to vector<1x1x1xi32>
      %reduce_min3A_52 = vector.extract %reduce_min3A_51[0, 0, 0] : i32 from vector<1x1x1xi32>
      %eq3A_53 = vector.broadcast %reduce_min3A_52 : i32 to vector<79x128xi32>
      %eq3A_54 = arith.cmpi eq, %add3A, %eq3A_53 : vector<79x128xi32>
      %broadcast_in_dim3A_55 = vector.broadcast %scan3A_32 : f32 to vector<79x128xf32>
      %select_n3A_56 = arith.select %eq3A_54, %get3A_3, %broadcast_in_dim3A_55 : vector<79x128xi1>, vector<79x128xf32>
      %reduce_max3A = vector.shape_cast %select_n3A_56 : vector<79x128xf32> to vector<1x79x128xf32>
      %reduce_max3A_57 = arith.constant dense<0xFF800000> : vector<1xf32>
      %reduce_max3A_58 = vector.multi_reduction <maximumf>, %reduce_max3A, %reduce_max3A_57 [1, 2] : vector<1x79x128xf32> to vector<1xf32>
      %reduce_max3A_59 = vector.shape_cast %reduce_max3A_58 : vector<1xf32> to vector<1x1x1xf32>
      %reduce_max3A_60 = vector.extract %reduce_max3A_59[0, 0, 0] : f32 from vector<1x1x1xf32>
      %broadcast_in_dim3A_61 = vector.broadcast %scan3A_32 : f32 to vector<79x128xf32>
      %select_n3A_62 = arith.select %eq3A_54, %get3A_8, %broadcast_in_dim3A_61 : vector<79x128xi1>, vector<79x128xf32>
      %reduce_max3A_63 = vector.shape_cast %select_n3A_62 : vector<79x128xf32> to vector<1x79x128xf32>
      %reduce_max3A_64 = arith.constant dense<0xFF800000> : vector<1xf32>
      %reduce_max3A_65 = vector.multi_reduction <maximumf>, %reduce_max3A_63, %reduce_max3A_64 [1, 2] : vector<1x79x128xf32> to vector<1xf32>
      %reduce_max3A_66 = vector.shape_cast %reduce_max3A_65 : vector<1xf32> to vector<1x1x1xf32>
      %reduce_max3A_67 = vector.extract %reduce_max3A_66[0, 0, 0] : f32 from vector<1x1x1xf32>
      %broadcast_in_dim3A_68 = vector.broadcast %scan3A_32 : f32 to vector<79x128xf32>
      %select_n3A_69 = arith.select %eq3A_54, %get3A_13, %broadcast_in_dim3A_68 : vector<79x128xi1>, vector<79x128xf32>
      %reduce_max3A_70 = vector.shape_cast %select_n3A_69 : vector<79x128xf32> to vector<1x79x128xf32>
      %reduce_max3A_71 = arith.constant dense<0xFF800000> : vector<1xf32>
      %reduce_max3A_72 = vector.multi_reduction <maximumf>, %reduce_max3A_70, %reduce_max3A_71 [1, 2] : vector<1x79x128xf32> to vector<1xf32>
      %reduce_max3A_73 = vector.shape_cast %reduce_max3A_72 : vector<1xf32> to vector<1x1x1xf32>
      %reduce_max3A_74 = vector.extract %reduce_max3A_73[0, 0, 0] : f32 from vector<1x1x1xf32>
      %broadcast_in_dim3A_75 = vector.broadcast %scan3A_32 : f32 to vector<79x128xf32>
      %select_n3A_76 = arith.select %eq3A_54, %get3A_18, %broadcast_in_dim3A_75 : vector<79x128xi1>, vector<79x128xf32>
      %reduce_max3A_77 = vector.shape_cast %select_n3A_76 : vector<79x128xf32> to vector<1x79x128xf32>
      %reduce_max3A_78 = arith.constant dense<0xFF800000> : vector<1xf32>
      %reduce_max3A_79 = vector.multi_reduction <maximumf>, %reduce_max3A_77, %reduce_max3A_78 [1, 2] : vector<1x79x128xf32> to vector<1xf32>
      %reduce_max3A_80 = vector.shape_cast %reduce_max3A_79 : vector<1xf32> to vector<1x1x1xf32>
      %reduce_max3A_81 = vector.extract %reduce_max3A_80[0, 0, 0] : f32 from vector<1x1x1xf32>
      %broadcast_in_dim3A_82 = vector.broadcast %scan3A_32 : f32 to vector<79x128xf32>
      %select_n3A_83 = arith.select %eq3A_54, %mul3A_30, %broadcast_in_dim3A_82 : vector<79x128xi1>, vector<79x128xf32>
      %reduce_max3A_84 = vector.shape_cast %select_n3A_83 : vector<79x128xf32> to vector<1x79x128xf32>
      %reduce_max3A_85 = arith.constant dense<0xFF800000> : vector<1xf32>
      %reduce_max3A_86 = vector.multi_reduction <maximumf>, %reduce_max3A_84, %reduce_max3A_85 [1, 2] : vector<1x79x128xf32> to vector<1xf32>
      %reduce_max3A_87 = vector.shape_cast %reduce_max3A_86 : vector<1xf32> to vector<1x1x1xf32>
      %reduce_max3A_88 = vector.extract %reduce_max3A_87[0, 0, 0] : f32 from vector<1x1x1xf32>
      %min3A = vector.broadcast %reduce_max3A_74 : f32 to vector<79x128xf32>
      %min3A_89 = arith.minimumf %min3A, %get3A_13 : vector<79x128xf32>
      %max3A = vector.broadcast %reduce_max3A_60 : f32 to vector<79x128xf32>
      %max3A_90 = arith.maximumf %max3A, %get3A_3 : vector<79x128xf32>
      %sub3A_91 = arith.subf %min3A_89, %max3A_90 : vector<79x128xf32>
      %max3A_92 = arith.constant 0.000000e+00 : f32
      %max3A_93 = vector.broadcast %max3A_92 : f32 to vector<79x128xf32>
      %max3A_94 = arith.maximumf %sub3A_91, %max3A_93 : vector<79x128xf32>
      %min3A_95 = vector.broadcast %reduce_max3A_81 : f32 to vector<79x128xf32>
      %min3A_96 = arith.minimumf %min3A_95, %get3A_18 : vector<79x128xf32>
      %max3A_97 = vector.broadcast %reduce_max3A_67 : f32 to vector<79x128xf32>
      %max3A_98 = arith.maximumf %max3A_97, %get3A_8 : vector<79x128xf32>
      %sub3A_99 = arith.subf %min3A_96, %max3A_98 : vector<79x128xf32>
      %max3A_100 = arith.constant 0.000000e+00 : f32
      %max3A_101 = vector.broadcast %max3A_100 : f32 to vector<79x128xf32>
      %max3A_102 = arith.maximumf %sub3A_99, %max3A_101 : vector<79x128xf32>
      %mul3A_103 = arith.mulf %max3A_94, %max3A_102 : vector<79x128xf32>
      %add3A_104 = vector.broadcast %reduce_max3A_88 : f32 to vector<79x128xf32>
      %add3A_105 = arith.addf %add3A_104, %mul3A_30 : vector<79x128xf32>
      %sub3A_106 = arith.subf %add3A_105, %mul3A_103 : vector<79x128xf32>
      %max3A_107 = arith.constant 9.99999996E-13 : f32
      %max3A_108 = vector.broadcast %max3A_107 : f32 to vector<79x128xf32>
      %max3A_109 = arith.maximumf %sub3A_106, %max3A_108 : vector<79x128xf32>
      %div3A = arith.divf %mul3A_103, %max3A_109 : vector<79x128xf32>
      %gt3A_110 = arith.constant 8.000000e-01 : f32
      %gt3A_111 = vector.broadcast %gt3A_110 : f32 to vector<79x128xf32>
      %gt3A_112 = arith.cmpf ogt, %div3A, %gt3A_111 : vector<79x128xf32>
      %gt3A_113 = vector.broadcast %reduce_min3A_52 : i32 to vector<79x128xi32>
      %gt3A_114 = arith.cmpi sgt, %add3A, %gt3A_113 : vector<79x128xi32>
      %and3A_115 = arith.andi %gt3A_112, %gt3A_114 : vector<79x128xi1>
      %or3A = arith.ori %eq3A_54, %and3A_115 : vector<79x128xi1>
      %jit3A = arith.constant 1 : i32
      %jit3A_116 = arith.constant 0 : i32
      %broadcast_in_dim3A_117 = vector.broadcast %jit3A : i32 to vector<79x128xi32>
      %broadcast_in_dim3A_118 = vector.broadcast %jit3A_116 : i32 to vector<79x128xi32>
      %select_n3A_119 = arith.select %or3A, %broadcast_in_dim3A_117, %broadcast_in_dim3A_118 : vector<79x128xi1>, vector<79x128xi32>
      %max3A_120 = arith.maxsi %scan3A_45, %select_n3A_119 : vector<79x128xi32>
      %jit3A_121 = arith.constant 1 : i32
      %jit3A_122 = arith.constant 0 : i32
      %broadcast_in_dim3A_123 = vector.broadcast %jit3A_121 : i32 to vector<79x128xi32>
      %broadcast_in_dim3A_124 = vector.broadcast %jit3A_122 : i32 to vector<79x128xi32>
      %select_n3A_125 = arith.select %eq3A_54, %broadcast_in_dim3A_123, %broadcast_in_dim3A_124 : vector<79x128xi1>, vector<79x128xi32>
      %max3A_126 = arith.maxsi %scan3A_44, %select_n3A_125 : vector<79x128xi32>
      scf.yield %max3A_126, %max3A_120 : vector<79x128xi32>, vector<79x128xi32>
    }
    %swap3A = arith.constant 0 : index
    %swap3A_38 = arith.constant 0 : index
    %swap3A_39 = arith.constant 0 : index
    %swap3A_40 = vector.load %arg6[%swap3A, %swap3A_38, %swap3A_39] : memref<1x79x128xi32, #tpu.memory_space<vmem>>, vector<1x79x128xi32>
    %swap3A_41 = vector.shape_cast %swap3A_40 : vector<1x79x128xi32> to vector<79x128xi32>
    %swap3A_42 = vector.shape_cast %scan3A_37#0 : vector<79x128xi32> to vector<1x79x128xi32>
    tpu.vector_store %arg6[%swap3A, %swap3A_38, %swap3A_39], %swap3A_42 {strides = array<i32>} : memref<1x79x128xi32, #tpu.memory_space<vmem>>, vector<1x79x128xi32>,
    return
  }
  func.func @transform_0(%arg0: i32) -> (i32, i32, i32) {
    %c0_i32 = arith.constant 0 : i32
    %c0_i32_0 = arith.constant 0 : i32
    %c0_i32_1 = arith.constant 0 : i32
    return %arg0, %c0_i32, %c0_i32_0 : i32, i32, i32
  }
  func.func @transform_1(%arg0: i32) -> (i32, i32, i32) {
    %c0_i32 = arith.constant 0 : i32
    %c0_i32_0 = arith.constant 0 : i32
    %c0_i32_1 = arith.constant 0 : i32
    return %arg0, %c0_i32, %c0_i32_0 : i32, i32, i32
  }
  func.func @transform_2(%arg0: i32) -> (i32, i32, i32) {
    %c0_i32 = arith.constant 0 : i32
    %c0_i32_0 = arith.constant 0 : i32
    %c0_i32_1 = arith.constant 0 : i32
    return %arg0, %c0_i32, %c0_i32_0 : i32, i32, i32
  }
  func.func @transform_3(%arg0: i32) -> (i32, i32, i32) {
    %c0_i32 = arith.constant 0 : i32
    %c0_i32_0 = arith.constant 0 : i32
    %c0_i32_1 = arith.constant 0 : i32
    return %arg0, %c0_i32, %c0_i32_0 : i32, i32, i32
  }
  func.func @transform_4(%arg0: i32) -> (i32, i32, i32) {
    %c0_i32 = arith.constant 0 : i32
    %c0_i32_0 = arith.constant 0 : i32
    %c0_i32_1 = arith.constant 0 : i32
    return %arg0, %c0_i32, %c0_i32_0 : i32, i32, i32
  }
  func.func @transform_5(%arg0: i32) -> (i32, i32, i32) {
    %c0_i32 = arith.constant 0 : i32
    %c0_i32_0 = arith.constant 0 : i32
    %c0_i32_1 = arith.constant 0 : i32
    return %arg0, %c0_i32, %c0_i32_0 : i32, i32, i32
  }
}

</mosaic_0001>

<sc_bundles>
// kernel: gather_offload_async_start.1
scs
__scs_entry_jumppad:
0x0: {  	(pc) =	sbr.rel $0x88, $3  }
0x1: {  	(tag) =	ssettag $0x0;
	lr =	simm.s32 $0x1  }
0x2: {  	[smem:$0x3F9E] =	sst lr;
	_ =	strace $0xD0000000  }
0x3: {  	_ = 	snop  }
0x4: {  	_ = 	snop  }
0x5: {  	_ = 	snop  }
0x6: {  	_ = 	snop  }
0x7: {  	_ = 	snop  }
__scs_overlays_trampoline_lowered:
0x8: {  	[smem:$0x3FAD] =	sst s0  }
0x9: {  	[smem:$0x3FAE] =	sst s1  }
0xa: {  	[smem:$0x3FAF] =	sst s2  }
0xb: {  	[smem:$0x3FB0] =	sst s3  }
0xc: {  	[smem:$0x3FB1] =	sst s4  }
0xd: {  	[smem:$0x3FB2] =	sst s5  }
0xe: {  	[smem:$0x3FB3] =	sst s6  }
0xf: {  	[smem:$0x3FB4] =	sst s7  }
0x10: {  	[smem:$0x3FB5] =	sst s8  }
0x11: {  	[smem:$0x3FB6] =	sst s9;
	s0 =	simm.s32 @!p0 $0x0  }
0x12: {  	s1 =	sld [smem:$0x3F9C];
	s0 =	simm.s32 @p0 $0x1  }
0x13: {  	[smem:$0x3FB7] =	sst s0;
	s0 =	simm.s32 @!p1 $0x0  }
0x14: {  	s2 =	sld [smem:$0x3F9B];
	s0 =	simm.s32 @p1 $0x1  }
0x15: {  	[smem:$0x3FB8] =	sst s0;
	s0 =	simm.s32 @!p2 $0x0  }
0x16: {  	s3 =	sld [smem:$0x3FDB];
	s0 =	simm.s32 @p2 $0x1  }
0x17: {  	s4 =	simm.s32 $0x1BF5;
	[smem:$0x3FBA] =	sst s0  }
0x18: {  	s0 =	sld [smem:$0x3F9D];
	_ =	swait.ge [sflag:s4], $0x0  }
0x19: {  	s7 =	sld [smem:$0x3F9E]  }
0x1a: {  	s8 =	sadd.s32 $0xFFFFE003, lr  }
0x1b: {  	s9 =	sadd.s32 $0xFFFFFEF7, lr;
	s5 =	simm.s32 $0xFFFFFFFF;
	p2 =	slt.u32 s8, $0xFFFFF086  }
0x1c: {  	p1 =	slt.u32 s9, $0xF7A;
	s5 =	simm.s32 @!p2 $0x0  }
0x1d: {  	s5 =	simm.s32 @p1 $0x1;
	p0 =	seq.s32 s7, s2  }
0x1e: {  	s7 =	smul.u32 @!p0 $0xF7A, s2;
	p2 =	seq.s32 @!p0 s5, $0x0  }
0x1f: {  	s9 =	smul.u32 $0xF7A, s1;
	s8 =	simm.s32 @!p0 $0x1BF5;
	p2 =	por !p2, p0  }
0x20: {  	[sflag:s8] =	ssyncset.s32 @!p0 $0xFFFFF086;
	s6 =	sadd.s32 @!p0 s3, s7;
	s7 =	simm.s32 @!p0 $0x108  }
0x21: {  	s3 =	sadd.s32 s3, s9;
	s6 =	sadd.s32 @!p0 $0x88, s6;
	s7 =	simm.s32 @p2 $0x1082  }
0x22: {  	[simem:s7], [sflag:s8] =	dma.local @!p0 [hbm:s6], $0xF7A  }
0x23: {  	s9 =	sor.u32 $0xD0000000, s2;
	s6 =	simm.s32 $0x108;
	_ =	swait.ge @!p0 [sflag:s8], $0x0  }
0x24: {  	s3 =	sadd.s32 $0x88, s3;
	s6 =	simm.s32 @!p1 $0x1082;
	[sflag:s4] =	ssyncset.s32 $0xFFFFF086  }
0x25: {  	[simem:s6], [sflag:s4] =	dma.local [hbm:s3], $0xF7A  }
0x26: {  	[smem:$0x3F9E] =	sst s1;
	(tag) =	ssettag s2;
	_ =	strace s9  }
0x27: {  	s1 =	sld [smem:$0x3FAE]  }
0x28: {  	s2 =	sld [smem:$0x3FAF]  }
0x29: {  	s4 =	sld [smem:$0x3FB1]  }
0x2a: {  	p0 =	seq.s32 s5, $0x0;
	s5 =	sld [smem:$0x3FB2]  }
0x2b: {  	s6 =	sld [smem:$0x3FB3]  }
0x2c: {  	s7 =	sld [smem:$0x3FB4]  }
0x2d: {  	s3 =	simm.s32 $0x108;
	s8 =	sld [smem:$0x3FB5]  }
0x2e: {  	s3 =	simm.s32 @!p0 $0x1082;
	s9 =	sld [smem:$0x3FB6]  }
0x2f: {  	lr =	sadd.s32 s0, s3;
	s0 =	sld [smem:$0x3FAD]  }
0x30: {  	s3 =	sld [smem:$0x3FB0]  }
0x31: {  	[smem:$0x3FB9] =	sst s10  }
0x32: {  	s10 =	sld [smem:$0x3FB7];
	_ =	sdelay $0x3  }
0x33: {  	p0 =	seq.s32 s10, $0x1;
	s10 =	sld [smem:$0x3FB9];
	_ =	sdelay $0x3  }
0x34: {  	[smem:$0x3FB9] =	sst s10  }
0x35: {  	s10 =	sld [smem:$0x3FB8];
	_ =	sdelay $0x3  }
0x36: {  	p1 =	seq.s32 s10, $0x1;
	s10 =	sld [smem:$0x3FB9];
	_ =	sdelay $0x3  }
0x37: {  	[smem:$0x3FB9] =	sst s10  }
0x38: {  	s10 =	sld [smem:$0x3FBA]  }
0x39: {  	_ = 	snop;
	(pc) =	sbr.ind lr, $3  }
0x3a: {  	_ = 	snop  }
0x3b: {  	_ = 	snop  }
0x3c: {  	p2 =	seq.s32 s10, $0x1;
	s10 =	sld [smem:$0x3FB9]  }
0x3d: {  	_ =	shalt  }
0x3e: {  	_ =	shalt  }
0x3f: {  	_ =	shalt  }
0x40: {  	_ =	shalt  }
0x41: {  	_ =	shalt  }
0x42: {  	_ =	shalt  }
0x43: {  	_ =	shalt  }
0x44: {  	_ =	shalt  }
0x45: {  	_ =	shalt  }
0x46: {  	_ =	shalt  }
0x47: {  	_ =	shalt  }
0x48: {  	_ =	shalt  }
0x49: {  	_ =	shalt  }
0x4a: {  	_ =	shalt  }
0x4b: {  	_ =	shalt  }
0x4c: {  	_ =	shalt  }
0x4d: {  	_ =	shalt  }
0x4e: {  	_ =	shalt  }
0x4f: {  	_ =	shalt  }
0x50: {  	_ =	shalt  }
0x51: {  	_ =	shalt  }
0x52: {  	_ =	shalt  }
0x53: {  	_ =	shalt  }
0x54: {  	_ =	shalt  }
0x55: {  	_ =	shalt  }
0x56: {  	_ =	shalt  }
0x57: {  	_ =	shalt  }
0x58: {  	_ =	shalt  }
0x59: {  	_ =	shalt  }
0x5a: {  	_ =	shalt  }
0x5b: {  	_ =	shalt  }
0x5c: {  	_ =	shalt  }
0x5d: {  	_ =	shalt  }
0x5e: {  	_ =	shalt  }
0x5f: {  	_ =	shalt  }
0x60: {  	_ =	shalt  }
0x61: {  	_ =	shalt  }
0x62: {  	_ =	shalt  }
0x63: {  	_ =	shalt  }
0x64: {  	_ =	shalt  }
0x65: {  	_ =	shalt  }
0x66: {  	_ =	shalt  }
0x67: {  	_ =	shalt  }
0x68: {  	_ =	shalt  }
0x69: {  	_ =	shalt  }
0x6a: {  	_ =	shalt  }
0x6b: {  	_ =	shalt  }
0x6c: {  	_ =	shalt  }
0x6d: {  	_ =	shalt  }
0x6e: {  	_ =	shalt  }
0x6f: {  	_ =	shalt  }
0x70: {  	_ =	shalt  }
0x71: {  	_ =	shalt  }
0x72: {  	_ =	shalt  }
0x73: {  	_ =	shalt  }
0x74: {  	_ =	shalt  }
0x75: {  	_ =	shalt  }
0x76: {  	_ =	shalt  }
0x77: {  	_ =	shalt  }
0x78: {  	_ =	shalt  }
0x79: {  	_ =	shalt  }
0x7a: {  	_ =	shalt  }
0x7b: {  	_ =	shalt  }
0x7c: {  	_ =	shalt  }
0x7d: {  	_ =	shalt  }
0x7e: {  	_ =	shalt  }
0x7f: {  	_ =	shalt  }
0x80: {  	_ =	shalt  }
0x81: {  	_ =	shalt  }
0x82: {  	_ =	shalt  }
0x83: {  	_ =	shalt  }
0x84: {  	_ =	shalt  }
0x85: {  	_ =	shalt  }
0x86: {  	_ =	shalt  }
0x87: {  	_ =	shalt  }
.Lfunc_end0:
.L_simem_size_0:
called_computation.1_lowered:
.L_overlay_start_0:
0x88: {  	s2 =	sld [smem:$0x3FD9]  }
0x89: {  	s3 =	sld [smem:$0x3FFE];
	_ =	sdelay $0x1  }
0x8a: {  	s1 =	srdreg.scid  }
0x8b: {  	s0 =	sand.u32 $0x1, s1  }
0x8c: {  	s16 =	sshll.u32 s0, $0xA;
	s2 =	sadd.s32 s3, s2  }
0x8d: {  	s2 =	sadd.s32 s2, s16  }
0x8e: {  	[smem:$0x3FC5] =	sst s2  }
0x8f: {  	_ = 	snop  }
0x90: {  	(tm) =	ssettm $0x1  }
0x91: {  	s17 =	sld [smem:$0x3FFB];
	_ =	sdelay $0x3  }
0x92: {  	_ =	strace s17  }
0x93: {  	s2 =	sld [smem:$0x3FFC];
	_ =	sdelay $0x3  }
0x94: {  	_ =	strace s2  }
0x95: {  	s2 =	sld [smem:$0x3FFD];
	_ =	sdelay $0x3  }
0x96: {  	_ =	strace s2  }
0x97: {  	_ =	strace $0x8FFFFFFF  }
0x98: {  	s18 =	sld [smem:$0x3FDB];
	_ =	sdelay $0x1  }
0x99: {  	s19 =	simm.s32 $_scs_section_size  }
0x9a: {  	s4 =	simm.s32 $_size__tile_overlayer_lowered;
	s5 =	simm.s32 $_tile_overlayer_lowered  }
0x9b: {  	s22 =	simm.s32 $0x1BFF;
	s21 =	sshll.u32 s5, $0x1;
	s2 =	sadd.s32 s19, s18  }
0x9c: {  	s6 =	simm.s32 $0x0;
	s20 =	sshll.u32 s4, $0x1;
	s4 =	sadd.s32 s21, s2  }
0x9d: {  	[timem:s6], [sflag:s22] =	dma.local [hbm:s4], s20  }
0x9e: {  	_ =	swait.ge [sflag:s22], s20  }
0x9f: {  	s3 =	ssub.s32 $0x0, s20;
	[sflag:s22] =	ssyncset.done $0x0  }
0xa0: {  	[sflag:s22] =	ssyncadd.s32 s3;
	_ =	sdelay $0x1  }
0xa1: {  	s23 =	simm.s32 $0x1B8B  }
0xa2: {  	_ =	swait.ge [sflag:s23], $0x1  }
0xa3: {  	[sflag:s23] =	ssyncset.done $0x0  }
0xa4: {  	s25 =	simm.s32 $0x1B8E;
	s24 =	sld [smem:$0x3FFE];
	[sflag:s23] =	ssyncadd.s32 $0xFFFFFFFF  }
0xa5: {  	s26 =	simm.s32 $execute0_lowered;
	[smem:$0x3FD2] =	sst s25  }
0xa6: {  	s4 =	sshll.u32 s26, $0x1;
	_ =	strace $0x8000004C;
	[dreg:$0x1] =	wrdreg $0xFFFFFFFF  }
0xa7: {  	s28 =	simm.s32 $_size_execute0_lowered;
	s2 =	sadd.s32 s2, s4;
	[dreg:$0x0] =	wrdreg $0x0  }
0xa8: {  	s4 =	sshll.u32 s28, $0x1;
	[dreg:$0x2] =	wrdreg s2  }
0xa9: {  	[dreg:$0x3] =	wrdreg s4  }
0xaa: {  	[dreg:$0x4] =	wrdreg $0xC0  }
0xab: {  	_ =	task [dreg:s6], $0x5FFFF  }
0xac: {  	[dreg:$0x1] =	wrdreg $0xFFFFFFFF  }
0xad: {  	[dreg:$0x0] =	wrdreg $0x60  }
0xae: {  	[dreg:$0x2] =	wrdreg s24  }
0xaf: {  	[dreg:$0x3] =	wrdreg $0x9  }
0xb0: {  	_ =	task.clear_ibuf [dreg:s6], $0x4FFFF;
	_ =	strace $0x9000004C  }
0xb1: {  	s29 =	simm.s32 $0x9;
	_ =	strace $0x8000004E  }
0xb2: {  	_ =	swait.ge [sflag:s29], $0x1  }
0xb3: {  	[sflag:s29] =	ssyncadd.s32 $0xFFFFFFFF  }
0xb4: {  	_ =	strace $0x9000004E  }
0xb5: {  	_ =	sfence  }
0xb6: {  	s30 =	sld [smem:$0x0];
	_ =	sdelay $0x2  }
0xb7: {  	s31 =	sshll.u32 s1, $0xD;
	s1 =	sshrl.u32 s1, $0x2  }
0xb8: {  	s3 =	sand.u32 $0x4000, s31;
	s1 =	sadd.s32 s1, s30  }
0xb9: {  	s0 =	sor.u32 s3, s0;
	s1 =	sshll.u32 s1, $0x11  }
0xba: {  	s0 =	sor.u32 s1, s0  }
0xbb: {  	s0 =	sadd.s32 $0x8F2B, s0  }
0xbc: {  	[sflag:s0] =	ssyncadd.remote.s32 $0x1  }
0xbd: {  	_ =	sfence.sel $0xFFFF  }
0xbe: {  	[dreg:$0x0] =	wrdreg $0xFFFFFFFF;
	(pc) =	sbr.abs _section_cstart, $3  }
0xbf: {  	[dreg:$0x1] =	wrdreg $0xFFFFFFFF  }
0xc0: {  	_ =	task.clear_ibuf [dreg:s6], $0x2FFFF;
	_ =	strace $0x9FFFFFFF  }
0xc1: {  	(tm) =	ssettm $0x7FFFFFFF  }
tec
execute0_lowered:
.L_overlay_start_1:
0x0: {  	(tag) =	ssettag $0x1  }
0x1: {  	s8 =	rddreg [dreg:$0x0];
	s1 =	stileid.u32  }
0x2: {  	s2 =	srdreg.scid;
	s0 =	rddreg [dreg:$0x1]  }
0x3: {  	_ =	strace $0x8000004D;
	s5 =	simm.s32 $0x1;
	s9 =	simm.s32 $0x1  }
0x4: {  	s10 =	simm.s32 $0x3;
	s2 =	sand.u32 $0x1, s2;
	s3 =	sshll.u32 s1, $0x1  }
0x5: {  	s13 =	simm.s32 $0x0;
	s12 =	simm.s32 $0x0;
	s6 =	sor.u32 s3, s2  }
0x6: {  	[sflag:s5] =	ssyncpa.u1 $0x0;
	s2 =	sadd.s32 $0x4400, s8;
	s4 =	smul.u32 $0x280, s6  }
0x7: {  	s3 =	sadd.s32 $0x6400, s8;
	p0 =	slt.u32 s6, $0x9;
	s6 =	simm.s32 $0x5000  }
.Ltmp0:
0x8: {  	s6 =	simm.s32 @!p0 $0x0;
	s7 =	ssub.s32 $0x6400, s4;
	(pc) =	sbr.rel .LBB2_1-.Ltmp0, $4  }
0x9: {  	s9 =	simm.s32 @!p0 $0x0;
	p0 =	sne.s32 s7, s6;
	s7 =	simm.s32 $0x1  }
0xa: {  	s8 =	sadd.s32 $0xB400, s8;
	s6 =	simm.s32 $0x2;
	s7 =	simm.s32 @!p0 $0x0  }
0xb: {  	s11 =	smov.u32 s4;
	[sflag:s6] =	ssyncpa.u1 $0x0;
	s7 =	sadd.s32 s9, s7  }
0xc: {  	vm0 =	vmmov $0xffff;
	[sflag:s10] =	ssyncpa.u1 $0x0;
	s10 =	simm.s32 $0x0;
	s9 =	sadd.s32 $0x1, s7  }
.LBB2_4:
0xd: {  	v5 =	vld.msk [tilespmem:s18+$0x0 ss:$0x1], $0xffff  }
0xe: {  	v6 =	vand.u32 $0x3, v1;
	v7 =	vshrl.u32 v1, $0x2  }
0xf: {  	v3 =	vor.u32 v4, v3;
	vm1 =	veq.s32 v1, $0x80000000;
	v53 =	vand.u32 $0x3FFF, v7  }
0x10: {  	v2 =	vor.u32 v2, v3;
	v54 =	vsel vm1, $0xFFFFFFFF, v6;
	v1 =	vsel vm1, $0xFFFFFFFF, v53  }
0x11: {  	v6 =	vshll.u32 v54, $0x7;
	v3 =	vand.u32 $0xFFFF0000, v54;
	v55 =	vand.u32 $0x7F, v1  }
0x12: {  	v1 =	vshll.u32 v1, $0x2;
	v6 =	vand.u32 $0x180, v6;
	v56 =	vshrl.u32 v5, $0x2  }
0x13: {  	v1 =	vand.u32 $0xFFFFFE00, v1;
	vm1 =	veq.s32 v5, $0x80000000;
	v57 =	vand.u32 $0x3FFF, v56  }
0x14: {  	v1 =	vadd.s32 v3, v1;
	v5 =	vand.u32 $0x3, v5;
	v3 =	vsel vm1, $0xFFFFFFFF, v57  }
0x15: {  	v1 =	vor.u32 v6, v1;
	v5 =	vsel vm1, $0xFFFFFFFF, v5;
	v58 =	vshll.u32 v3, $0x2  }
0x16: {  	v59 =	vshll.u32 v5, $0x7;
	v5 =	vand.u32 $0xFFFF0000, v5;
	v6 =	vand.u32 $0xFFFFFE00, v58  }
0x17: {  	v1 =	vor.u32 v55, v1;
	v61 =	vand.u32 $0x180, v59;
	v60 =	vadd.s32 v5, v6  }
0x18: {  	[tilespmem:s16], [sflag:$0x1] =	stream.indirect_vreg.gather [hbm4b:s2+s10], $0x1, v0, vm0, $0x4038;
	v62 =	vand.u32 $0x7F, v3;
	v63 =	vor.u32 v61, v60;
	[tilespmem:$0xA00] =	vst v63  }
0x19: {  	(ifvalue) =	ssetifvalue $0x7FFFFFFF;
	v0 =	vor.u32 v62, v63  }
0x1a: {  	[tilespmem:s15], [sflag:$0x1] =	stream.indirect_vreg.gather [hbm4b:s2+s10], $0x1, v2, vm0, $0x4038;
	[tilespmem:$0xA00] =	vst v63  }
0x1b: {  	s29 =	sadd.s32 $0x10, s15;
	(ifvalue) =	ssetifvalue $0x7FFFFFFF  }
0x1c: {  	[tilespmem:s29], [sflag:$0x1] =	stream.indirect_vreg.gather [hbm4b:s2+s10], $0x1, v1, vm0, $0x4038;
	[tilespmem:$0xA00] =	vst v63  }
0x1d: {  	s15 =	sadd.s32 $0x10, s29;
	(ifvalue) =	ssetifvalue $0x7FFFFFFF  }
0x1e: {  	[tilespmem:s15], [sflag:$0x1] =	stream.indirect_vreg.gather [hbm4b:s2+s10], $0x1, v0, vm0, $0x4038;
	[tilespmem:$0xA00] =	vst v63  }
0x1f: {  	_ =	swait.ge [sflag:s5], $0x280  }
0x20: {  	s30 =	sshrl.u32 s13, $0x3;
	[sflag:s5] =	ssyncset.done $0x0  }
0x21: {  	s31 =	sand.u32 $0x7, s13;
	s15 =	sadd.s32 s8, s30;
	[sflag:s5] =	ssyncadd.s32 $0xFFFFFD80  }
0x22: {  	[hbm4b:s15+s31] =	stream.linear.scatter [tilespmem:s14], [sflag:$0x3], $0x280, $0x38;
	[tilespmem:$0xA00] =	vst v63  }
.LBB2_5:
0x23: {  	s15 =	sadd.s32 $0x5000, s11  }
0x24: {  	p1 =	sgt.s32 s15, $0x63FF  }
0x25: {  	s15 =	smov.u32 @p1 s4;
	p1 =	sne.s32 s12, s9  }
.Ltmp1:
0x26: {  	p0 =	slt.u32 s12, $0x2;
	(pc) =	sbr.rel @!p1 .LBB2_6-.Ltmp1, $4  }
0x27: {  	s14 =	simm.s32 @!p0 $0x3  }
0x28: {  	_ =	swait.ge @!p0 [sflag:s14], $0x280  }
0x29: {  	s16 =	sadd.s32 $0x1, s12;
	s13 =	smov.u32 s11;
	[sflag:s14] =	ssyncset.done @!p0 $0x0  }
0x2a: {  	s12 =	smov.u32 s16;
	s11 =	smov.u32 s15;
	[sflag:s14] =	ssyncadd.s32 @!p0 $0xFFFFFD80  }
.LBB2_1:
0x2b: {  	p0 =	sge.u32 s12, s7  }
0x2c: {  	s14 =	sxor.u32 @!p0 $0x1, s12  }
0x2d: {  	s14 =	smul.u32 @!p0 $0xA00, s14  }
0x2e: {  	s31 =	sadd.s32 $0xFFFFFFFF, s12;
	s15 =	sshrl.u32 @!p0 s11, $0x3  }
0x2f: {  	s16 =	sand.u32 @!p0 $0x7, s11;
	s15 =	sadd.s32 @!p0 s3, s15;
	s14 =	sshra.s32 @!p0 s14, $0x2  }
0x30: {  	[tilespmem:s14], [sflag:$0x2] =	stream.linear.gather @!p0 [hbm4b:s15+s16], $0x280, $0x38;
	[tilespmem:$0xA00] =	vst v63  }
0x31: {  	p0 =	sge.u32 s31, s7  }
.Ltmp2:
0x32: {  	_ = 	snop;
	(pc) =	sbr.rel @p0 .LBB2_5-.Ltmp2, $1  }
0x33: {  	_ =	sdelay $0x3  }
0x34: {  	s14 =	sand.u32 $0x1, s12  }
0x35: {  	_ =	swait.ge [sflag:s6], $0x280;
	p0 =	seq.s32 s14, $0x1;
	s14 =	simm.s32 $0x280  }
0x36: {  	[sflag:s6] =	ssyncset.done $0x0;
	s14 =	simm.s32 @!p0 $0x0  }
0x37: {  	[sflag:s6] =	ssyncadd.s32 $0xFFFFFD80;
	(ifvalue) =	ssetifvalue $0x7FFFFFFF;
	v0 =	vld.msk [tilespmem:s14+$0x0 ss:$0x1], $0xffff;
	_ =	sdelay $0x4  }
0x38: {  	s15 =	sadd.s32 $0x10, s14;
	v2 =	vshrl.u32 v0, $0x2  }
0x39: {  	v1 =	vld.msk [tilespmem:s15+$0x0 ss:$0x1], $0xffff;
	vm1 =	veq.s32 v0, $0x80000000;
	v2 =	vand.u32 $0x3FFF, v2  }
0x3a: {  	v0 =	vand.u32 $0x3, v0;
	v2 =	vsel vm1, $0xFFFFFFFF, v2  }
0x3b: {  	v0 =	vsel vm1, $0xFFFFFFFF, v0;
	v3 =	vshll.u32 v2, $0x2  }
0x3c: {  	v4 =	vand.u32 $0xFFFF0000, v0;
	v0 =	vshll.u32 v0, $0x7;
	v3 =	vand.u32 $0xFFFFFE00, v3  }
0x3d: {  	v0 =	vand.u32 $0x180, v0;
	v3 =	vadd.s32 v4, v3  }
0x3e: {  	v2 =	vand.u32 $0x7F, v2;
	v4 =	vshrl.u32 v1, $0x2;
	v0 =	vor.u32 v0, v3  }
0x3f: {  	vm1 =	veq.s32 v1, $0x80000000;
	v4 =	vand.u32 $0x3FFF, v4;
	v0 =	vor.u32 v2, v0  }
0x40: {  	s15 =	sadd.s32 $0x10, s15;
	v1 =	vand.u32 $0x3, v1;
	v3 =	vsel vm1, $0xFFFFFFFF, v4  }
0x41: {  	s14 =	sor.u32 $0x500, s14;
	v2 =	vsel vm1, $0xFFFFFFFF, v1;
	v1 =	vld.msk [tilespmem:s15+$0x0 ss:$0x1], $0xffff;
	v4 =	vshll.u32 v3, $0x2  }
0x42: {  	s17 =	simm.s32 $0x30;
	s16 =	smov.u32 s14;
	v5 =	vshll.u32 v2, $0x7;
	v6 =	vand.u32 $0xFFFF0000, v2;
	v4 =	vand.u32 $0xFFFFFE00, v4  }
0x43: {  	s18 =	sadd.s32 $0x10, s15;
	(ifvalue) =	ssetifvalue $0x7FFFFFFF;
	s15 =	sadd.s32 $0x10, s14;
	v2 =	vand.u32 $0x7F, v3;
	v3 =	vadd.s32 v6, v4;
	v4 =	vand.u32 $0x180, v5  }
.LBB2_3:
0x44: {  	[tilespmem:s16], [sflag:$0x1] =	stream.indirect_vreg.gather [hbm4b:s2+s10], $0x1, v0, vm0, $0x4038;
	[tilespmem:$0xA00] =	vst v63  }
0x45: {  	s17 =	sadd.s32 $0x10, s17  }
0x46: {  	v5 =	vand.u32 $0x3, v1;
	v6 =	vshrl.u32 v1, $0x2;
	v3 =	vor.u32 v4, v3;
	v0 =	vmovc v1;
	v1 =	vld.msk [tilespmem:s18+$0x0 ss:$0x1], $0xffff;
	p0 =	slt.u32 s17, $0x270  }
.Ltmp3:
0x47: {  	s16 =	smov.u32 s15;
	vm1 =	veq.s32 v0, $0x80000000;
	v4 =	vand.u32 $0x3FFF, v6;
	v0 =	vor.u32 v2, v3;
	(pc) =	sbr.rel @p0 .LBB2_3-.Ltmp3, $4  }
0x48: {  	v3 =	vsel vm1, $0xFFFFFFFF, v5;
	v4 =	vsel vm1, $0xFFFFFFFF, v4  }
0x49: {  	v2 =	vand.u32 $0x7F, v4;
	v4 =	vshll.u32 v4, $0x2;
	v5 =	vshll.u32 v3, $0x7  }
0x4a: {  	v3 =	vand.u32 $0xFFFF0000, v3;
	v4 =	vand.u32 $0xFFFFFE00, v4  }
0x4b: {  	s18 =	sadd.s32 $0x10, s18;
	s15 =	sadd.s32 $0x10, s15;
	v3 =	vadd.s32 v3, v4;
	v4 =	vand.u32 $0x180, v5;
	(ifvalue) =	ssetifvalue $0x7FFFFFFF  }
.Ltmp4:
0x4c: {  	_ = 	snop;
	(pc) =	sbr.rel .LBB2_4-.Ltmp4, $1  }
0x4d: {  	_ =	sdelay $0x3  }
.LBB2_6:
0x4e: {  	_ =	sfence.sel $0x180000  }
0x4f: {  	s2 =	simm.s32 $0x2;
	[bflag:$0x0] =	sbarrier.arrive $0xFFFF  }
0x50: {  	s30 =	simm.s32 $0x3;
	[sflag:s2] =	ssyncpa.u1 $0x1  }
0x51: {  	s31 =	simm.s32 $0x1;
	[sflag:s30] =	ssyncpa.u1 $0x1  }
0x52: {  	[sflag:s31] =	ssyncpa.u1 $0x1  }
0x53: {  	p0 =	sne.s32 s1, $0x0;
	_ =	strace $0x9000004D  }
0x54: {  	s0 =	sadd.s32 @!p0 $0x100000, s0;
	[bflag:$0x2] =	sbarrier.arrive $0xFFFF  }
0x55: {  	[sflag:s0] =	ssyncadd.tile.s32 @!p0 $0x1;
	_ =	shalt  }
.Lfunc_end2:
_tile_overlayer_lowered:
.L_overlay_start_2:
0x56: {  	(tag) =	ssettag $0x2  }
0x57: {  	s0 =	rddreg [dreg:$0x0];
	s2 =	stileid.u32  }
0x58: {  	s1 =	rddreg [dreg:$0x1];
	p0 =	sne.s32 s2, $0x0  }
0x59: {  	s3 =	rddreg [dreg:$0x2];
	[bflag:$0x3] =	sbarrier.arrive $0xFFFF;
	s2 =	simm.s32 @!p0 $0x1C01  }
0x5a: {  	[timem:s3], [sflag:s2] =	dma.local @!p0 [hbm:s0], s1  }
0x5b: {  	s0 =	simm.s32 @!p0 $0x1  }
0x5c: {  	_ =	swait.ge @!p0 [sflag:s0], s1  }
0x5d: {  	s1 =	ssub.s32 @!p0 $0x0, s1;
	[sflag:s0] =	ssyncset.done @!p0 $0x0  }
0x5e: {  	[sflag:s0] =	ssyncadd.s32 @!p0 s1  }
0x5f: {  	[bflag:$0x3] =	sbarrier.arrive $0xFFFF  }
0x60: {  	_ =	shalt  }

// kernel: gather_offload_async_start.2
scs
__scs_entry_jumppad:
0x0: {  	(pc) =	sbr.rel $0x88, $3  }
0x1: {  	(tag) =	ssettag $0x0;
	lr =	simm.s32 $0x1  }
0x2: {  	[smem:$0x3F9E] =	sst lr;
	_ =	strace $0xD0000000  }
0x3: {  	_ = 	snop  }
0x4: {  	_ = 	snop  }
0x5: {  	_ = 	snop  }
0x6: {  	_ = 	snop  }
0x7: {  	_ = 	snop  }
__scs_overlays_trampoline_lowered:
0x8: {  	[smem:$0x3FAD] =	sst s0  }
0x9: {  	[smem:$0x3FAE] =	sst s1  }
0xa: {  	[smem:$0x3FAF] =	sst s2  }
0xb: {  	[smem:$0x3FB0] =	sst s3  }
0xc: {  	[smem:$0x3FB1] =	sst s4  }
0xd: {  	[smem:$0x3FB2] =	sst s5  }
0xe: {  	[smem:$0x3FB3] =	sst s6  }
0xf: {  	[smem:$0x3FB4] =	sst s7  }
0x10: {  	[smem:$0x3FB5] =	sst s8  }
0x11: {  	[smem:$0x3FB6] =	sst s9;
	s0 =	simm.s32 @!p0 $0x0  }
0x12: {  	s1 =	sld [smem:$0x3F9C];
	s0 =	simm.s32 @p0 $0x1  }
0x13: {  	[smem:$0x3FB7] =	sst s0;
	s0 =	simm.s32 @!p1 $0x0  }
0x14: {  	s2 =	sld [smem:$0x3F9B];
	s0 =	simm.s32 @p1 $0x1  }
0x15: {  	[smem:$0x3FB8] =	sst s0;
	s0 =	simm.s32 @!p2 $0x0  }
0x16: {  	s3 =	sld [smem:$0x3FDB];
	s0 =	simm.s32 @p2 $0x1  }
0x17: {  	s4 =	simm.s32 $0x1BF5;
	[smem:$0x3FBA] =	sst s0  }
0x18: {  	s0 =	sld [smem:$0x3F9D];
	_ =	swait.ge [sflag:s4], $0x0  }
0x19: {  	s7 =	sld [smem:$0x3F9E]  }
0x1a: {  	s8 =	sadd.s32 $0xFFFFE003, lr  }
0x1b: {  	s9 =	sadd.s32 $0xFFFFFEF7, lr;
	s5 =	simm.s32 $0xFFFFFFFF;
	p2 =	slt.u32 s8, $0xFFFFF086  }
0x1c: {  	p1 =	slt.u32 s9, $0xF7A;
	s5 =	simm.s32 @!p2 $0x0  }
0x1d: {  	s5 =	simm.s32 @p1 $0x1;
	p0 =	seq.s32 s7, s2  }
0x1e: {  	s7 =	smul.u32 @!p0 $0xF7A, s2;
	p2 =	seq.s32 @!p0 s5, $0x0  }
0x1f: {  	s9 =	smul.u32 $0xF7A, s1;
	s8 =	simm.s32 @!p0 $0x1BF5;
	p2 =	por !p2, p0  }
0x20: {  	[sflag:s8] =	ssyncset.s32 @!p0 $0xFFFFF086;
	s6 =	sadd.s32 @!p0 s3, s7;
	s7 =	simm.s32 @!p0 $0x108  }
0x21: {  	s3 =	sadd.s32 s3, s9;
	s6 =	sadd.s32 @!p0 $0x88, s6;
	s7 =	simm.s32 @p2 $0x1082  }
0x22: {  	[simem:s7], [sflag:s8] =	dma.local @!p0 [hbm:s6], $0xF7A  }
0x23: {  	s9 =	sor.u32 $0xD0000000, s2;
	s6 =	simm.s32 $0x108;
	_ =	swait.ge @!p0 [sflag:s8], $0x0  }
0x24: {  	s3 =	sadd.s32 $0x88, s3;
	s6 =	simm.s32 @!p1 $0x1082;
	[sflag:s4] =	ssyncset.s32 $0xFFFFF086  }
0x25: {  	[simem:s6], [sflag:s4] =	dma.local [hbm:s3], $0xF7A  }
0x26: {  	[smem:$0x3F9E] =	sst s1;
	(tag) =	ssettag s2;
	_ =	strace s9  }
0x27: {  	s1 =	sld [smem:$0x3FAE]  }
0x28: {  	s2 =	sld [smem:$0x3FAF]  }
0x29: {  	s4 =	sld [smem:$0x3FB1]  }
0x2a: {  	p0 =	seq.s32 s5, $0x0;
	s5 =	sld [smem:$0x3FB2]  }
0x2b: {  	s6 =	sld [smem:$0x3FB3]  }
0x2c: {  	s7 =	sld [smem:$0x3FB4]  }
0x2d: {  	s3 =	simm.s32 $0x108;
	s8 =	sld [smem:$0x3FB5]  }
0x2e: {  	s3 =	simm.s32 @!p0 $0x1082;
	s9 =	sld [smem:$0x3FB6]  }
0x2f: {  	lr =	sadd.s32 s0, s3;
	s0 =	sld [smem:$0x3FAD]  }
0x30: {  	s3 =	sld [smem:$0x3FB0]  }
0x31: {  	[smem:$0x3FB9] =	sst s10  }
0x32: {  	s10 =	sld [smem:$0x3FB7];
	_ =	sdelay $0x3  }
0x33: {  	p0 =	seq.s32 s10, $0x1;
	s10 =	sld [smem:$0x3FB9];
	_ =	sdelay $0x3  }
0x34: {  	[smem:$0x3FB9] =	sst s10  }
0x35: {  	s10 =	sld [smem:$0x3FB8];
	_ =	sdelay $0x3  }
0x36: {  	p1 =	seq.s32 s10, $0x1;
	s10 =	sld [smem:$0x3FB9];
	_ =	sdelay $0x3  }
0x37: {  	[smem:$0x3FB9] =	sst s10  }
0x38: {  	s10 =	sld [smem:$0x3FBA]  }
0x39: {  	_ = 	snop;
	(pc) =	sbr.ind lr, $3  }
0x3a: {  	_ = 	snop  }
0x3b: {  	_ = 	snop  }
0x3c: {  	p2 =	seq.s32 s10, $0x1;
	s10 =	sld [smem:$0x3FB9]  }
0x3d: {  	_ =	shalt  }
0x3e: {  	_ =	shalt  }
0x3f: {  	_ =	shalt  }
0x40: {  	_ =	shalt  }
0x41: {  	_ =	shalt  }
0x42: {  	_ =	shalt  }
0x43: {  	_ =	shalt  }
0x44: {  	_ =	shalt  }
0x45: {  	_ =	shalt  }
0x46: {  	_ =	shalt  }
0x47: {  	_ =	shalt  }
0x48: {  	_ =	shalt  }
0x49: {  	_ =	shalt  }
0x4a: {  	_ =	shalt  }
0x4b: {  	_ =	shalt  }
0x4c: {  	_ =	shalt  }
0x4d: {  	_ =	shalt  }
0x4e: {  	_ =	shalt  }
0x4f: {  	_ =	shalt  }
0x50: {  	_ =	shalt  }
0x51: {  	_ =	shalt  }
0x52: {  	_ =	shalt  }
0x53: {  	_ =	shalt  }
0x54: {  	_ =	shalt  }
0x55: {  	_ =	shalt  }
0x56: {  	_ =	shalt  }
0x57: {  	_ =	shalt  }
0x58: {  	_ =	shalt  }
0x59: {  	_ =	shalt  }
0x5a: {  	_ =	shalt  }
0x5b: {  	_ =	shalt  }
0x5c: {  	_ =	shalt  }
0x5d: {  	_ =	shalt  }
0x5e: {  	_ =	shalt  }
0x5f: {  	_ =	shalt  }
0x60: {  	_ =	shalt  }
0x61: {  	_ =	shalt  }
0x62: {  	_ =	shalt  }
0x63: {  	_ =	shalt  }
0x64: {  	_ =	shalt  }
0x65: {  	_ =	shalt  }
0x66: {  	_ =	shalt  }
0x67: {  	_ =	shalt  }
0x68: {  	_ =	shalt  }
0x69: {  	_ =	shalt  }
0x6a: {  	_ =	shalt  }
0x6b: {  	_ =	shalt  }
0x6c: {  	_ =	shalt  }
0x6d: {  	_ =	shalt  }
0x6e: {  	_ =	shalt  }
0x6f: {  	_ =	shalt  }
0x70: {  	_ =	shalt  }
0x71: {  	_ =	shalt  }
0x72: {  	_ =	shalt  }
0x73: {  	_ =	shalt  }
0x74: {  	_ =	shalt  }
0x75: {  	_ =	shalt  }
0x76: {  	_ =	shalt  }
0x77: {  	_ =	shalt  }
0x78: {  	_ =	shalt  }
0x79: {  	_ =	shalt  }
0x7a: {  	_ =	shalt  }
0x7b: {  	_ =	shalt  }
0x7c: {  	_ =	shalt  }
0x7d: {  	_ =	shalt  }
0x7e: {  	_ =	shalt  }
0x7f: {  	_ =	shalt  }
0x80: {  	_ =	shalt  }
0x81: {  	_ =	shalt  }
0x82: {  	_ =	shalt  }
0x83: {  	_ =	shalt  }
0x84: {  	_ =	shalt  }
0x85: {  	_ =	shalt  }
0x86: {  	_ =	shalt  }
0x87: {  	_ =	shalt  }
.Lfunc_end0:
.L_simem_size_0:
called_computation.2_lowered:
.L_overlay_start_0:
0x88: {  	s2 =	sld [smem:$0x3FD9]  }
0x89: {  	s3 =	sld [smem:$0x3FFE];
	_ =	sdelay $0x1  }
0x8a: {  	s1 =	srdreg.scid  }
0x8b: {  	s0 =	sand.u32 $0x1, s1  }
0x8c: {  	s16 =	sshll.u32 s0, $0xA;
	s2 =	sadd.s32 s3, s2  }
0x8d: {  	s2 =	sadd.s32 s2, s16  }
0x8e: {  	[smem:$0x3FC5] =	sst s2  }
0x8f: {  	_ = 	snop  }
0x90: {  	(tm) =	ssettm $0x1  }
0x91: {  	s17 =	sld [smem:$0x3FFB];
	_ =	sdelay $0x3  }
0x92: {  	_ =	strace s17  }
0x93: {  	s2 =	sld [smem:$0x3FFC];
	_ =	sdelay $0x3  }
0x94: {  	_ =	strace s2  }
0x95: {  	s2 =	sld [smem:$0x3FFD];
	_ =	sdelay $0x3  }
0x96: {  	_ =	strace s2  }
0x97: {  	_ =	strace $0x8FFFFFFF  }
0x98: {  	s18 =	sld [smem:$0x3FDB];
	_ =	sdelay $0x1  }
0x99: {  	s19 =	simm.s32 $_scs_section_size  }
0x9a: {  	s4 =	simm.s32 $_size__tile_overlayer_lowered;
	s5 =	simm.s32 $_tile_overlayer_lowered  }
0x9b: {  	s22 =	simm.s32 $0x1BFF;
	s21 =	sshll.u32 s5, $0x1;
	s2 =	sadd.s32 s19, s18  }
0x9c: {  	s6 =	simm.s32 $0x0;
	s20 =	sshll.u32 s4, $0x1;
	s4 =	sadd.s32 s21, s2  }
0x9d: {  	[timem:s6], [sflag:s22] =	dma.local [hbm:s4], s20  }
0x9e: {  	_ =	swait.ge [sflag:s22], s20  }
0x9f: {  	s3 =	ssub.s32 $0x0, s20;
	[sflag:s22] =	ssyncset.done $0x0  }
0xa0: {  	[sflag:s22] =	ssyncadd.s32 s3;
	_ =	sdelay $0x1  }
0xa1: {  	s23 =	simm.s32 $0x1B8B  }
0xa2: {  	_ =	swait.ge [sflag:s23], $0x1  }
0xa3: {  	[sflag:s23] =	ssyncset.done $0x0  }
0xa4: {  	s25 =	simm.s32 $0x1B8E;
	s24 =	sld [smem:$0x3FFE];
	[sflag:s23] =	ssyncadd.s32 $0xFFFFFFFF  }
0xa5: {  	s26 =	simm.s32 $execute0_lowered;
	[smem:$0x3FD2] =	sst s25  }
0xa6: {  	s4 =	sshll.u32 s26, $0x1;
	_ =	strace $0x8000004F;
	[dreg:$0x1] =	wrdreg $0xFFFFFFFF  }
0xa7: {  	s28 =	simm.s32 $_size_execute0_lowered;
	s2 =	sadd.s32 s2, s4;
	[dreg:$0x0] =	wrdreg $0x0  }
0xa8: {  	s4 =	sshll.u32 s28, $0x1;
	[dreg:$0x2] =	wrdreg s2  }
0xa9: {  	[dreg:$0x3] =	wrdreg s4  }
0xaa: {  	[dreg:$0x4] =	wrdreg $0xC0  }
0xab: {  	_ =	task [dreg:s6], $0x5FFFF  }
0xac: {  	[dreg:$0x1] =	wrdreg $0xFFFFFFFF  }
0xad: {  	[dreg:$0x0] =	wrdreg $0x60  }
0xae: {  	[dreg:$0x2] =	wrdreg s24  }
0xaf: {  	[dreg:$0x3] =	wrdreg $0x9  }
0xb0: {  	_ =	task.clear_ibuf [dreg:s6], $0x4FFFF;
	_ =	strace $0x9000004F  }
0xb1: {  	s29 =	simm.s32 $0x9;
	_ =	strace $0x80000051  }
0xb2: {  	_ =	swait.ge [sflag:s29], $0x1  }
0xb3: {  	[sflag:s29] =	ssyncadd.s32 $0xFFFFFFFF  }
0xb4: {  	_ =	strace $0x90000051  }
0xb5: {  	_ =	sfence  }
0xb6: {  	s30 =	sld [smem:$0x0];
	_ =	sdelay $0x2  }
0xb7: {  	s31 =	sshll.u32 s1, $0xD;
	s1 =	sshrl.u32 s1, $0x2  }
0xb8: {  	s3 =	sand.u32 $0x4000, s31;
	s1 =	sadd.s32 s1, s30  }
0xb9: {  	s0 =	sor.u32 s3, s0;
	s1 =	sshll.u32 s1, $0x11  }
0xba: {  	s0 =	sor.u32 s1, s0  }
0xbb: {  	s0 =	sadd.s32 $0x8F2B, s0  }
0xbc: {  	[sflag:s0] =	ssyncadd.remote.s32 $0x1  }
0xbd: {  	_ =	sfence.sel $0xFFFF  }
0xbe: {  	[dreg:$0x0] =	wrdreg $0xFFFFFFFF;
	(pc) =	sbr.abs _section_cstart, $3  }
0xbf: {  	[dreg:$0x1] =	wrdreg $0xFFFFFFFF  }
0xc0: {  	_ =	task.clear_ibuf [dreg:s6], $0x2FFFF;
	_ =	strace $0x9FFFFFFF  }
0xc1: {  	(tm) =	ssettm $0x7FFFFFFF  }
tec
execute0_lowered:
.L_overlay_start_1:
0x0: {  	(tag) =	ssettag $0x1  }
0x1: {  	s0 =	srdreg.scid  }
0x2: {  	s1 =	sshll.u32 s0, $0x4  }
0x3: {  	s0 =	stileid.u32;
	s1 =	sand.u32 $0x10, s1  }
0x4: {  	s2 =	sor.u32 s0, s1  }
0x5: {  	s1 =	sshrl.u32 s1, $0x4;
	s3 =	smin.u32 s2, $0x10;
	s2 =	sshll.u32 s2, $0x1  }
0x6: {  	s1 =	sxor.u32 $0x3, s1;
	s2 =	sadd.s32 s3, s2  }
0x7: {  	s1 =	sadd.s32 s1, s2  }
0x8: {  	s1 =	smul.u32 $0x140, s1  }
0x9: {  	s2 =	smul.u32 $0x140, s2  }
0xa: {  	s3 =	smin.u32 s1, $0x6400  }
0xb: {  	s7 =	ssub.s32 s3, s2  }
0xc: {  	p0 =	sgt.s32 s7, $0x0  }
0xd: {  	s7 =	simm.s32 @!p0 $0x0  }
0xe: {  	s4 =	smul.u32 $0xCCCD, s7  }
0xf: {  	s9 =	rddreg [dreg:$0x0];
	s6 =	simm.s32 $0x1;
	s11 =	simm.s32 $0x3  }
0x10: {  	s13 =	simm.s32 $0x0;
	s12 =	simm.s32 $0x0;
	s8 =	sshrl.u32 s4, $0x18  }
0x11: {  	s1 =	rddreg [dreg:$0x1];
	_ =	strace $0x80000050;
	s10 =	smul.u32 $0x140, s8  }
.Ltmp0:
0x12: {  	s5 =	sadd.s32 $0xB400, s9;
	[sflag:s6] =	ssyncpa.u1 $0x0;
	(pc) =	sbr.rel .LBB2_1-.Ltmp0, $4  }
0x13: {  	s4 =	sadd.s32 $0x202400, s9;
	p0 =	sne.s32 s7, s10;
	s10 =	simm.s32 $0x1  }
0x14: {  	s9 =	sadd.s32 $0xDC00, s9;
	s7 =	simm.s32 $0x2;
	s10 =	simm.s32 @!p0 $0x0  }
0x15: {  	[sflag:s7] =	ssyncpa.u1 $0x0;
	p0 =	por $0x0, $0x0;
	s8 =	sadd.s32 s8, s10  }
0x16: {  	vm0 =	vmmov $0xff;
	vm1 =	vcmask $0x3F20;
	[sflag:s11] =	ssyncpa.u1 $0x0;
	s11 =	smov.u32 s2;
	s10 =	sadd.s32 $0x1, s8  }
.LBB2_6:
0x17: {  	[hbm:s17] =	stream.linear.scatter [tilespmem:s14], [sflag:$0x3], $0x400, $0x38;
	[tilespmem:$0x14280] =	vst v63  }
.LBB2_7:
0x18: {  	s13 =	sadd.s32 $0x140, s11  }
0x19: {  	s15 =	smov.u32 s2;
	p2 =	slt.s32 s13, s3  }
0x1a: {  	s15 =	smov.u32 @p2 s13;
	p2 =	sne.s32 s12, s10  }
.Ltmp1:
0x1b: {  	p1 =	slt.u32 s12, $0x2;
	(pc) =	sbr.rel @!p2 .LBB2_8-.Ltmp1, $4  }
0x1c: {  	s14 =	simm.s32 @!p1 $0x3  }
0x1d: {  	s16 =	sadd.s32 $0x1, s12;
	_ =	swait.ge @!p1 [sflag:s14], $0xA000  }
0x1e: {  	p0 =	por !p0, !p0;
	s13 =	smov.u32 s11;
	[sflag:s14] =	ssyncset.done @!p1 $0x0  }
0x1f: {  	s12 =	smov.u32 s16;
	s11 =	smov.u32 s15;
	[sflag:s14] =	ssyncadd.s32 @!p1 $0xFFFF6000  }
.LBB2_1:
0x20: {  	p1 =	sge.u32 s12, s8  }
0x21: {  	s14 =	sxor.u32 @!p1 $0xFFFFFFFF, s12  }
0x22: {  	s14 =	sand.u32 @!p1 $0x1, s14  }
0x23: {  	s14 =	smul.u32 @!p1 $0x500, s14  }
0x24: {  	s31 =	sadd.s32 $0xFFFFFFFF, s12;
	s15 =	sshrl.u32 @!p1 s11, $0x3  }
0x25: {  	s16 =	sand.u32 @!p1 $0x7, s11;
	s15 =	sadd.s32 @!p1 s5, s15;
	s14 =	sshrl.u32 @!p1 s14, $0x2  }
0x26: {  	[tilespmem:s14], [sflag:$0x2] =	stream.linear.gather @!p1 [hbm4b:s15+s16], $0x140, $0x38;
	[tilespmem:$0x14280] =	vst v63  }
0x27: {  	p1 =	sge.u32 s31, s8  }
.Ltmp2:
0x28: {  	_ = 	snop;
	(pc) =	sbr.rel @p1 .LBB2_7-.Ltmp2, $1  }
0x29: {  	_ =	sdelay $0x3  }
0x2a: {  	s14 =	simm.s32 $0x1  }
0x2b: {  	s14 =	simm.s32 @!p0 $0x0  }
0x2c: {  	s15 =	smul.u32 $0x500, s14  }
0x2d: {  	_ =	swait.ge [sflag:s7], $0x140  }
0x2e: {  	[sflag:s7] =	ssyncset.done $0x0;
	s16 =	sshrl.u32 s15, $0x2  }
0x2f: {  	[sflag:s7] =	ssyncadd.s32 $0xFFFFFEC0;
	s15 =	sadd.s32 $0x0, s16  }
0x30: {  	v0 =	vld.msk [tilespmem:s15+$0x0 ss:$0x1], $0xffff;
	_ =	sdelay $0x4  }
0x31: {  	v1 =	vshll.u32 v0, $0x5  }
0x32: {  	vm2 =	veq.s32 v0, $0x80000000;
	v0 =	vshll.u32 v0, $0x15;
	v1 =	vand.u32 $0x1FFF80, v1  }
0x33: {  	v0 =	vand.u32 $0x600000, v0;
	v1 =	vsel vm2, $0xFFFFFF80, v1  }
0x34: {  	v0 =	vsel vm2, $0xFFE00000, v0;
	v2 =	vand.u32 $0xFFFFFC00, v1  }
0x35: {  	v1 =	vand.u32 $0x380, v1;
	v0 =	vadd.s32 v0, v2  }
0x36: {  	v0 =	vor.u32 v1, v0  }
0x37: {  	v0 =	vshrl.u32 v0, $0x3  }
0x38: {  	s14 =	smul.u32 $0x28000, s14;
	_ =	sdelay $0x1  }
0x39: {  	s14 =	sshrl.u32 s14, $0x2  }
0x3a: {  	s14 =	sor.u32 $0x280, s14  }
0x3b: {  	[tilespmem:s14], [sflag:$0x1] =	stream.indirect_vreg.gather [hbm:s4], $0x80, v0, vm0, $0x38;
	[tilespmem:$0x14280] =	vst v63  }
0x3c: {  	s17 =	sadd.s32 $0x10, s16;
	s15 =	sadd.s32 $0x400, s14  }
0x3d: {  	[tilespmem:s15], [sflag:$0x1] =	stream.indirect_vreg.gather [hbm:s4], $0x80, v0, vm1, $0x38;
	[tilespmem:$0x14280] =	vst v63  }
0x3e: {  	s18 =	simm.s32 $0x80;
	v0 =	vld.msk [tilespmem:s17+$0x0 ss:$0x1], $0xffff;
	s17 =	smov.u32 s14  }
.LBB2_3:
0x3f: {  	p1 =	sne.s32 s18, $0x4C0;
	_ =	sdelay $0x4  }
0x40: {  	v1 =	vshll.u32 v0, $0x5  }
0x41: {  	vm2 =	veq.s32 v0, $0x80000000;
	v0 =	vshll.u32 v0, $0x15;
	v1 =	vand.u32 $0x1FFF80, v1  }
0x42: {  	v0 =	vand.u32 $0x600000, v0;
	v1 =	vsel vm2, $0xFFFFFF80, v1  }
0x43: {  	v0 =	vsel vm2, $0xFFE00000, v0;
	v2 =	vand.u32 $0xFFFFFC00, v1  }
0x44: {  	v1 =	vand.u32 $0x380, v1;
	v0 =	vadd.s32 v0, v2  }
0x45: {  	v0 =	vor.u32 v1, v0  }
0x46: {  	v0 =	vshrl.u32 v0, $0x3;
	_ =	sdelay $0x3  }
.Ltmp3:
0x47: {  	s19 =	sshra.s32 s18, $0x2;
	s17 =	sadd.s32 $0x800, s17;
	(pc) =	sbr.rel @p1 .LBB2_3-.Ltmp3, $4  }
0x48: {  	[tilespmem:s17], [sflag:$0x1] =	stream.indirect_vreg.gather [hbm:s4], $0x80, v0, vm0, $0x38;
	[tilespmem:$0x14280] =	vst v63  }
0x49: {  	s19 =	sadd.s32 s19, s16;
	s20 =	sadd.s32 $0x400, s17  }
0x4a: {  	[tilespmem:s20], [sflag:$0x1] =	stream.indirect_vreg.gather [hbm:s4], $0x80, v0, vm1, $0x38;
	[tilespmem:$0x14280] =	vst v63  }
0x4b: {  	s18 =	sadd.s32 $0x40, s18;
	v0 =	vld.msk [tilespmem:s19+$0x0 ss:$0x1], $0xffff  }
0x4c: {  	_ =	sdelay $0x3  }
0x4d: {  	v1 =	vshll.u32 v0, $0x5  }
0x4e: {  	vm2 =	veq.s32 v0, $0x80000000;
	v63 =	vshll.u32 v0, $0x15;
	v1 =	vand.u32 $0x1FFF80, v1  }
0x4f: {  	v0 =	vand.u32 $0x600000, v63;
	v1 =	vsel vm2, $0xFFFFFF80, v1  }
0x50: {  	v0 =	vsel vm2, $0xFFE00000, v0;
	v2 =	vand.u32 $0xFFFFFC00, v1  }
0x51: {  	v1 =	vand.u32 $0x380, v1;
	v0 =	vadd.s32 v0, v2  }
0x52: {  	v0 =	vor.u32 v1, v0  }
0x53: {  	v0 =	vshrl.u32 v0, $0x3;
	_ =	sdelay $0x3  }
0x54: {  	s16 =	sadd.s32 $0x800, s17  }
0x55: {  	[tilespmem:s16], [sflag:$0x1] =	stream.indirect_vreg.gather [hbm:s4], $0x80, v0, vm0, $0x38;
	[tilespmem:$0x14280] =	vst v63  }
0x56: {  	s16 =	sadd.s32 $0x400, s16  }
0x57: {  	[tilespmem:s16], [sflag:$0x1] =	stream.indirect_vreg.gather [hbm:s4], $0x80, v0, vm1, $0x38;
	[tilespmem:$0x14280] =	vst v63  }
0x58: {  	s13 =	sshll.u32 s13, $0x4;
	_ =	swait.ge [sflag:s6], $0xA000  }
0x59: {  	s13 =	sadd.s32 s13, s9;
	[sflag:s6] =	ssyncset.done $0x0  }
0x5a: {  	s17 =	sadd.s32 $0x0, s13;
	s16 =	simm.s32 $0x80;
	[sflag:s6] =	ssyncadd.s32 $0xFFFF6000  }
.LBB2_5:
0x5b: {  	[hbm:s17] =	stream.linear.scatter [tilespmem:s14], [sflag:$0x3], $0x400, $0x38;
	[tilespmem:$0x14280] =	vst v63  }
0x5c: {  	s17 =	smov.u32 s16;
	s14 =	smov.u32 s15;
	p1 =	sne.s32 s16, $0x1380  }
.Ltmp4:
0x5d: {  	s16 =	sadd.s32 $0x80, s16;
	(pc) =	sbr.rel @p1 .LBB2_5-.Ltmp4, $2  }
0x5e: {  	_ =	sdelay $0x2  }
0x5f: {  	s15 =	sadd.s32 $0x400, s15;
	s17 =	sadd.s32 s17, s13  }
.Ltmp5:
0x60: {  	_ = 	snop;
	(pc) =	sbr.rel .LBB2_6-.Ltmp5, $1  }
0x61: {  	_ =	sdelay $0x3  }
.LBB2_8:
0x62: {  	_ =	sfence.sel $0x180000  }
0x63: {  	s2 =	simm.s32 $0x2;
	[bflag:$0x0] =	sbarrier.arrive $0xFFFF  }
0x64: {  	s30 =	simm.s32 $0x3;
	[sflag:s2] =	ssyncpa.u1 $0x1  }
0x65: {  	s31 =	simm.s32 $0x1;
	[sflag:s30] =	ssyncpa.u1 $0x1  }
0x66: {  	[sflag:s31] =	ssyncpa.u1 $0x1  }
0x67: {  	p0 =	sne.s32 s0, $0x0;
	_ =	strace $0x90000050  }
0x68: {  	s0 =	sadd.s32 @!p0 $0x100000, s1;
	[bflag:$0x2] =	sbarrier.arrive $0xFFFF  }
0x69: {  	[sflag:s0] =	ssyncadd.tile.s32 @!p0 $0x1;
	_ =	shalt  }
.Lfunc_end2:
_tile_overlayer_lowered:
.L_overlay_start_2:
0x6a: {  	(tag) =	ssettag $0x2  }
0x6b: {  	s0 =	rddreg [dreg:$0x0];
	s2 =	stileid.u32  }
0x6c: {  	s1 =	rddreg [dreg:$0x1];
	p0 =	sne.s32 s2, $0x0  }
0x6d: {  	s3 =	rddreg [dreg:$0x2];
	[bflag:$0x3] =	sbarrier.arrive $0xFFFF;
	s2 =	simm.s32 @!p0 $0x1C01  }
0x6e: {  	[timem:s3], [sflag:s2] =	dma.local @!p0 [hbm:s0], s1  }
0x6f: {  	s0 =	simm.s32 @!p0 $0x1  }
0x70: {  	_ =	swait.ge @!p0 [sflag:s0], s1  }
0x71: {  	s1 =	ssub.s32 @!p0 $0x0, s1;
	[sflag:s0] =	ssyncset.done @!p0 $0x0  }
0x72: {  	[sflag:s0] =	ssyncadd.s32 @!p0 s1  }
0x73: {  	[bflag:$0x3] =	sbarrier.arrive $0xFFFF  }
0x74: {  	_ =	shalt  }

// kernel: gather_offload_async_start.3
scs
__scs_entry_jumppad:
0x0: {  	(pc) =	sbr.rel $0x88, $3  }
0x1: {  	(tag) =	ssettag $0x0;
	lr =	simm.s32 $0x1  }
0x2: {  	[smem:$0x3F9E] =	sst lr;
	_ =	strace $0xD0000000  }
0x3: {  	_ = 	snop  }
0x4: {  	_ = 	snop  }
0x5: {  	_ = 	snop  }
0x6: {  	_ = 	snop  }
0x7: {  	_ = 	snop  }
__scs_overlays_trampoline_lowered:
0x8: {  	[smem:$0x3FAD] =	sst s0  }
0x9: {  	[smem:$0x3FAE] =	sst s1  }
0xa: {  	[smem:$0x3FAF] =	sst s2  }
0xb: {  	[smem:$0x3FB0] =	sst s3  }
0xc: {  	[smem:$0x3FB1] =	sst s4  }
0xd: {  	[smem:$0x3FB2] =	sst s5  }
0xe: {  	[smem:$0x3FB3] =	sst s6  }
0xf: {  	[smem:$0x3FB4] =	sst s7  }
0x10: {  	[smem:$0x3FB5] =	sst s8  }
0x11: {  	[smem:$0x3FB6] =	sst s9;
	s0 =	simm.s32 @!p0 $0x0  }
0x12: {  	s1 =	sld [smem:$0x3F9C];
	s0 =	simm.s32 @p0 $0x1  }
0x13: {  	[smem:$0x3FB7] =	sst s0;
	s0 =	simm.s32 @!p1 $0x0  }
0x14: {  	s2 =	sld [smem:$0x3F9B];
	s0 =	simm.s32 @p1 $0x1  }
0x15: {  	[smem:$0x3FB8] =	sst s0;
	s0 =	simm.s32 @!p2 $0x0  }
0x16: {  	s3 =	sld [smem:$0x3FDB];
	s0 =	simm.s32 @p2 $0x1  }
0x17: {  	s4 =	simm.s32 $0x1BF5;
	[smem:$0x3FBA] =	sst s0  }
0x18: {  	s0 =	sld [smem:$0x3F9D];
	_ =	swait.ge [sflag:s4], $0x0  }
0x19: {  	s7 =	sld [smem:$0x3F9E]  }
0x1a: {  	s8 =	sadd.s32 $0xFFFFE003, lr  }
0x1b: {  	s9 =	sadd.s32 $0xFFFFFEF7, lr;
	s5 =	simm.s32 $0xFFFFFFFF;
	p2 =	slt.u32 s8, $0xFFFFF086  }
0x1c: {  	p1 =	slt.u32 s9, $0xF7A;
	s5 =	simm.s32 @!p2 $0x0  }
0x1d: {  	s5 =	simm.s32 @p1 $0x1;
	p0 =	seq.s32 s7, s2  }
0x1e: {  	s7 =	smul.u32 @!p0 $0xF7A, s2;
	p2 =	seq.s32 @!p0 s5, $0x0  }
0x1f: {  	s9 =	smul.u32 $0xF7A, s1;
	s8 =	simm.s32 @!p0 $0x1BF5;
	p2 =	por !p2, p0  }
0x20: {  	[sflag:s8] =	ssyncset.s32 @!p0 $0xFFFFF086;
	s6 =	sadd.s32 @!p0 s3, s7;
	s7 =	simm.s32 @!p0 $0x108  }
0x21: {  	s3 =	sadd.s32 s3, s9;
	s6 =	sadd.s32 @!p0 $0x88, s6;
	s7 =	simm.s32 @p2 $0x1082  }
0x22: {  	[simem:s7], [sflag:s8] =	dma.local @!p0 [hbm:s6], $0xF7A  }
0x23: {  	s9 =	sor.u32 $0xD0000000, s2;
	s6 =	simm.s32 $0x108;
	_ =	swait.ge @!p0 [sflag:s8], $0x0  }
0x24: {  	s3 =	sadd.s32 $0x88, s3;
	s6 =	simm.s32 @!p1 $0x1082;
	[sflag:s4] =	ssyncset.s32 $0xFFFFF086  }
0x25: {  	[simem:s6], [sflag:s4] =	dma.local [hbm:s3], $0xF7A  }
0x26: {  	[smem:$0x3F9E] =	sst s1;
	(tag) =	ssettag s2;
	_ =	strace s9  }
0x27: {  	s1 =	sld [smem:$0x3FAE]  }
0x28: {  	s2 =	sld [smem:$0x3FAF]  }
0x29: {  	s4 =	sld [smem:$0x3FB1]  }
0x2a: {  	p0 =	seq.s32 s5, $0x0;
	s5 =	sld [smem:$0x3FB2]  }
0x2b: {  	s6 =	sld [smem:$0x3FB3]  }
0x2c: {  	s7 =	sld [smem:$0x3FB4]  }
0x2d: {  	s3 =	simm.s32 $0x108;
	s8 =	sld [smem:$0x3FB5]  }
0x2e: {  	s3 =	simm.s32 @!p0 $0x1082;
	s9 =	sld [smem:$0x3FB6]  }
0x2f: {  	lr =	sadd.s32 s0, s3;
	s0 =	sld [smem:$0x3FAD]  }
0x30: {  	s3 =	sld [smem:$0x3FB0]  }
0x31: {  	[smem:$0x3FB9] =	sst s10  }
0x32: {  	s10 =	sld [smem:$0x3FB7];
	_ =	sdelay $0x3  }
0x33: {  	p0 =	seq.s32 s10, $0x1;
	s10 =	sld [smem:$0x3FB9];
	_ =	sdelay $0x3  }
0x34: {  	[smem:$0x3FB9] =	sst s10  }
0x35: {  	s10 =	sld [smem:$0x3FB8];
	_ =	sdelay $0x3  }
0x36: {  	p1 =	seq.s32 s10, $0x1;
	s10 =	sld [smem:$0x3FB9];
	_ =	sdelay $0x3  }
0x37: {  	[smem:$0x3FB9] =	sst s10  }
0x38: {  	s10 =	sld [smem:$0x3FBA]  }
0x39: {  	_ = 	snop;
	(pc) =	sbr.ind lr, $3  }
0x3a: {  	_ = 	snop  }
0x3b: {  	_ = 	snop  }
0x3c: {  	p2 =	seq.s32 s10, $0x1;
	s10 =	sld [smem:$0x3FB9]  }
0x3d: {  	_ =	shalt  }
0x3e: {  	_ =	shalt  }
0x3f: {  	_ =	shalt  }
0x40: {  	_ =	shalt  }
0x41: {  	_ =	shalt  }
0x42: {  	_ =	shalt  }
0x43: {  	_ =	shalt  }
0x44: {  	_ =	shalt  }
0x45: {  	_ =	shalt  }
0x46: {  	_ =	shalt  }
0x47: {  	_ =	shalt  }
0x48: {  	_ =	shalt  }
0x49: {  	_ =	shalt  }
0x4a: {  	_ =	shalt  }
0x4b: {  	_ =	shalt  }
0x4c: {  	_ =	shalt  }
0x4d: {  	_ =	shalt  }
0x4e: {  	_ =	shalt  }
0x4f: {  	_ =	shalt  }
0x50: {  	_ =	shalt  }
0x51: {  	_ =	shalt  }
0x52: {  	_ =	shalt  }
0x53: {  	_ =	shalt  }
0x54: {  	_ =	shalt  }
0x55: {  	_ =	shalt  }
0x56: {  	_ =	shalt  }
0x57: {  	_ =	shalt  }
0x58: {  	_ =	shalt  }
0x59: {  	_ =	shalt  }
0x5a: {  	_ =	shalt  }
0x5b: {  	_ =	shalt  }
0x5c: {  	_ =	shalt  }
0x5d: {  	_ =	shalt  }
0x5e: {  	_ =	shalt  }
0x5f: {  	_ =	shalt  }
0x60: {  	_ =	shalt  }
0x61: {  	_ =	shalt  }
0x62: {  	_ =	shalt  }
0x63: {  	_ =	shalt  }
0x64: {  	_ =	shalt  }
0x65: {  	_ =	shalt  }
0x66: {  	_ =	shalt  }
0x67: {  	_ =	shalt  }
0x68: {  	_ =	shalt  }
0x69: {  	_ =	shalt  }
0x6a: {  	_ =	shalt  }
0x6b: {  	_ =	shalt  }
0x6c: {  	_ =	shalt  }
0x6d: {  	_ =	shalt  }
0x6e: {  	_ =	shalt  }
0x6f: {  	_ =	shalt  }
0x70: {  	_ =	shalt  }
0x71: {  	_ =	shalt  }
0x72: {  	_ =	shalt  }
0x73: {  	_ =	shalt  }
0x74: {  	_ =	shalt  }
0x75: {  	_ =	shalt  }
0x76: {  	_ =	shalt  }
0x77: {  	_ =	shalt  }
0x78: {  	_ =	shalt  }
0x79: {  	_ =	shalt  }
0x7a: {  	_ =	shalt  }
0x7b: {  	_ =	shalt  }
0x7c: {  	_ =	shalt  }
0x7d: {  	_ =	shalt  }
0x7e: {  	_ =	shalt  }
0x7f: {  	_ =	shalt  }
0x80: {  	_ =	shalt  }
0x81: {  	_ =	shalt  }
0x82: {  	_ =	shalt  }
0x83: {  	_ =	shalt  }
0x84: {  	_ =	shalt  }
0x85: {  	_ =	shalt  }
0x86: {  	_ =	shalt  }
0x87: {  	_ =	shalt  }
.Lfunc_end0:
.L_simem_size_0:
called_computation.3_lowered:
.L_overlay_start_0:
0x88: {  	s2 =	sld [smem:$0x3FD9]  }
0x89: {  	s3 =	sld [smem:$0x3FFE];
	_ =	sdelay $0x1  }
0x8a: {  	s1 =	srdreg.scid  }
0x8b: {  	s0 =	sand.u32 $0x1, s1  }
0x8c: {  	s16 =	sshll.u32 s0, $0xA;
	s2 =	sadd.s32 s3, s2  }
0x8d: {  	s2 =	sadd.s32 s2, s16  }
0x8e: {  	[smem:$0x3FC5] =	sst s2  }
0x8f: {  	_ = 	snop  }
0x90: {  	(tm) =	ssettm $0x1  }
0x91: {  	s17 =	sld [smem:$0x3FFB];
	_ =	sdelay $0x3  }
0x92: {  	_ =	strace s17  }
0x93: {  	s2 =	sld [smem:$0x3FFC];
	_ =	sdelay $0x3  }
0x94: {  	_ =	strace s2  }
0x95: {  	s2 =	sld [smem:$0x3FFD];
	_ =	sdelay $0x3  }
0x96: {  	_ =	strace s2  }
0x97: {  	_ =	strace $0x8FFFFFFF  }
0x98: {  	s18 =	sld [smem:$0x3FDB];
	_ =	sdelay $0x1  }
0x99: {  	s19 =	simm.s32 $_scs_section_size  }
0x9a: {  	s4 =	simm.s32 $_size__tile_overlayer_lowered;
	s5 =	simm.s32 $_tile_overlayer_lowered  }
0x9b: {  	s22 =	simm.s32 $0x1BFF;
	s21 =	sshll.u32 s5, $0x1;
	s2 =	sadd.s32 s19, s18  }
0x9c: {  	s6 =	simm.s32 $0x0;
	s20 =	sshll.u32 s4, $0x1;
	s4 =	sadd.s32 s21, s2  }
0x9d: {  	[timem:s6], [sflag:s22] =	dma.local [hbm:s4], s20  }
0x9e: {  	_ =	swait.ge [sflag:s22], s20  }
0x9f: {  	s3 =	ssub.s32 $0x0, s20;
	[sflag:s22] =	ssyncset.done $0x0  }
0xa0: {  	[sflag:s22] =	ssyncadd.s32 s3;
	_ =	sdelay $0x1  }
0xa1: {  	s23 =	simm.s32 $0x1B8B  }
0xa2: {  	_ =	swait.ge [sflag:s23], $0x1  }
0xa3: {  	[sflag:s23] =	ssyncset.done $0x0  }
0xa4: {  	s25 =	simm.s32 $0x1B8E;
	s24 =	sld [smem:$0x3FFE];
	[sflag:s23] =	ssyncadd.s32 $0xFFFFFFFF  }
0xa5: {  	s26 =	simm.s32 $execute0_lowered;
	[smem:$0x3FD2] =	sst s25  }
0xa6: {  	s4 =	sshll.u32 s26, $0x1;
	_ =	strace $0x80000049;
	[dreg:$0x1] =	wrdreg $0xFFFFFFFF  }
0xa7: {  	s28 =	simm.s32 $_size_execute0_lowered;
	s2 =	sadd.s32 s2, s4;
	[dreg:$0x0] =	wrdreg $0x0  }
0xa8: {  	s4 =	sshll.u32 s28, $0x1;
	[dreg:$0x2] =	wrdreg s2  }
0xa9: {  	[dreg:$0x3] =	wrdreg s4  }
0xaa: {  	[dreg:$0x4] =	wrdreg $0xC0  }
0xab: {  	_ =	task [dreg:s6], $0x5FFFF  }
0xac: {  	[dreg:$0x1] =	wrdreg $0xFFFFFFFF  }
0xad: {  	[dreg:$0x0] =	wrdreg $0x60  }
0xae: {  	[dreg:$0x2] =	wrdreg s24  }
0xaf: {  	[dreg:$0x3] =	wrdreg $0x9  }
0xb0: {  	_ =	task.clear_ibuf [dreg:s6], $0x4FFFF;
	_ =	strace $0x90000049  }
0xb1: {  	s29 =	simm.s32 $0x9;
	_ =	strace $0x8000004B  }
0xb2: {  	_ =	swait.ge [sflag:s29], $0x1  }
0xb3: {  	[sflag:s29] =	ssyncadd.s32 $0xFFFFFFFF  }
0xb4: {  	_ =	strace $0x9000004B  }
0xb5: {  	_ =	sfence  }
0xb6: {  	s30 =	sld [smem:$0x0];
	_ =	sdelay $0x2  }
0xb7: {  	s31 =	sshll.u32 s1, $0xD;
	s1 =	sshrl.u32 s1, $0x2  }
0xb8: {  	s3 =	sand.u32 $0x4000, s31;
	s1 =	sadd.s32 s1, s30  }
0xb9: {  	s0 =	sor.u32 s3, s0;
	s1 =	sshll.u32 s1, $0x11  }
0xba: {  	s0 =	sor.u32 s1, s0  }
0xbb: {  	s0 =	sadd.s32 $0x8F2B, s0  }
0xbc: {  	[sflag:s0] =	ssyncadd.remote.s32 $0x1  }
0xbd: {  	_ =	sfence.sel $0xFFFF  }
0xbe: {  	[dreg:$0x0] =	wrdreg $0xFFFFFFFF;
	(pc) =	sbr.abs _section_cstart, $3  }
0xbf: {  	[dreg:$0x1] =	wrdreg $0xFFFFFFFF  }
0xc0: {  	_ =	task.clear_ibuf [dreg:s6], $0x2FFFF;
	_ =	strace $0x9FFFFFFF  }
0xc1: {  	(tm) =	ssettm $0x7FFFFFFF  }
tec
execute0_lowered:
.L_overlay_start_1:
0x0: {  	(tag) =	ssettag $0x1  }
0x1: {  	s0 =	srdreg.scid;
	s5 =	rddreg [dreg:$0x0]  }
0x2: {  	s1 =	stileid.u32;
	s6 =	simm.s32 $0x1;
	s9 =	simm.s32 $0x1  }
0x3: {  	s10 =	simm.s32 $0x3;
	s13 =	simm.s32 $0x0;
	s2 =	sshll.u32 s0, $0x8  }
0x4: {  	s12 =	simm.s32 $0x0;
	s3 =	sshll.u32 s1, $0x9;
	s2 =	sand.u32 $0x100, s2  }
0x5: {  	s0 =	rddreg [dreg:$0x1];
	_ =	strace $0x8000004A;
	s2 =	sor.u32 s3, s2  }
0x6: {  	s4 =	sadd.s32 $0x9200, s5;
	[sflag:s6] =	ssyncpa.u1 $0x0;
	s8 =	ssub.s32 $0x9E00, s2  }
.Ltmp0:
0x7: {  	s3 =	sadd.s32 $0x4400, s5;
	s7 =	sand.u32 $0x1F00, s8;
	(pc) =	sbr.rel .LBB2_1-.Ltmp0, $4  }
0x8: {  	s5 =	sadd.s32 $0xB400, s5;
	s11 =	smov.u32 s2;
	p0 =	sne.s32 s7, $0x0  }
0x9: {  	s8 =	sshrl.u32 s8, $0xD;
	s7 =	simm.s32 $0x2;
	s9 =	simm.s32 @!p0 $0x0  }
0xa: {  	[sflag:s7] =	ssyncpa.u1 $0x0;
	p0 =	por $0x0, $0x0;
	s8 =	sadd.s32 s9, s8  }
0xb: {  	vm0 =	vmmov $0xffff;
	[sflag:s10] =	ssyncpa.u1 $0x0;
	s10 =	simm.s32 $0x0;
	s9 =	sadd.s32 $0x1, s8  }
.LBB2_4:
0xc: {  	v5 =	vld.msk [tilespmem:s18+$0x0 ss:$0x1], $0xffff  }
0xd: {  	v6 =	vand.u32 $0x3, v1;
	v7 =	vshrl.u32 v1, $0x2  }
0xe: {  	v3 =	vor.u32 v4, v3;
	vm1 =	veq.s32 v1, $0x80000000;
	v53 =	vand.u32 $0x3FFF, v7  }
0xf: {  	v2 =	vor.u32 v2, v3;
	v54 =	vsel vm1, $0xFFFFFFFF, v6;
	v1 =	vsel vm1, $0xFFFFFFFF, v53  }
0x10: {  	v6 =	vshll.u32 v54, $0x7;
	v3 =	vand.u32 $0xFFFF0000, v54;
	v55 =	vand.u32 $0x7F, v1  }
0x11: {  	v1 =	vshll.u32 v1, $0x2;
	v6 =	vand.u32 $0x180, v6;
	v56 =	vshrl.u32 v5, $0x2  }
0x12: {  	v1 =	vand.u32 $0xFFFFFE00, v1;
	vm1 =	veq.s32 v5, $0x80000000;
	v57 =	vand.u32 $0x3FFF, v56  }
0x13: {  	v1 =	vadd.s32 v3, v1;
	v5 =	vand.u32 $0x3, v5;
	v3 =	vsel vm1, $0xFFFFFFFF, v57  }
0x14: {  	v1 =	vor.u32 v6, v1;
	v5 =	vsel vm1, $0xFFFFFFFF, v5;
	v58 =	vshll.u32 v3, $0x2  }
0x15: {  	v59 =	vshll.u32 v5, $0x7;
	v5 =	vand.u32 $0xFFFF0000, v5;
	v6 =	vand.u32 $0xFFFFFE00, v58  }
0x16: {  	v1 =	vor.u32 v55, v1;
	v61 =	vand.u32 $0x180, v59;
	v60 =	vadd.s32 v5, v6  }
0x17: {  	[tilespmem:s16], [sflag:$0x1] =	stream.indirect_vreg.gather [hbm4b:s3+s10], $0x1, v0, vm0, $0x4038;
	v62 =	vand.u32 $0x7F, v3;
	v63 =	vor.u32 v61, v60;
	[tilespmem:$0x400] =	vst v63  }
0x18: {  	(ifvalue) =	ssetifvalue $0x7FFFFFFF;
	v0 =	vor.u32 v62, v63  }
0x19: {  	[tilespmem:s15], [sflag:$0x1] =	stream.indirect_vreg.gather [hbm4b:s3+s10], $0x1, v2, vm0, $0x4038;
	[tilespmem:$0x400] =	vst v63  }
0x1a: {  	s29 =	sadd.s32 $0x10, s15;
	(ifvalue) =	ssetifvalue $0x7FFFFFFF  }
0x1b: {  	[tilespmem:s29], [sflag:$0x1] =	stream.indirect_vreg.gather [hbm4b:s3+s10], $0x1, v1, vm0, $0x4038;
	[tilespmem:$0x400] =	vst v63  }
0x1c: {  	s15 =	sadd.s32 $0x10, s29;
	(ifvalue) =	ssetifvalue $0x7FFFFFFF  }
0x1d: {  	[tilespmem:s15], [sflag:$0x1] =	stream.indirect_vreg.gather [hbm4b:s3+s10], $0x1, v0, vm0, $0x4038;
	[tilespmem:$0x400] =	vst v63  }
0x1e: {  	_ =	swait.ge [sflag:s6], $0x100  }
0x1f: {  	s30 =	sshrl.u32 s13, $0x3;
	[sflag:s6] =	ssyncset.done $0x0  }
0x20: {  	s31 =	sand.u32 $0x7, s13;
	s15 =	sadd.s32 s5, s30;
	[sflag:s6] =	ssyncadd.s32 $0xFFFFFF00  }
0x21: {  	[hbm4b:s15+s31] =	stream.linear.scatter [tilespmem:s14], [sflag:$0x3], $0x100, $0x38;
	[tilespmem:$0x400] =	vst v63  }
.LBB2_5:
0x22: {  	s15 =	sadd.s32 $0x2000, s11  }
0x23: {  	p2 =	sgt.s32 s15, $0x9DFF  }
0x24: {  	s15 =	smov.u32 @p2 s2;
	p2 =	sne.s32 s12, s9  }
.Ltmp1:
0x25: {  	p1 =	slt.u32 s12, $0x2;
	(pc) =	sbr.rel @!p2 .LBB2_6-.Ltmp1, $4  }
0x26: {  	s14 =	simm.s32 @!p1 $0x3  }
0x27: {  	s16 =	sadd.s32 $0x1, s12;
	_ =	swait.ge @!p1 [sflag:s14], $0x100  }
0x28: {  	s13 =	smov.u32 s11;
	p0 =	por !p0, !p0;
	[sflag:s14] =	ssyncset.done @!p1 $0x0  }
0x29: {  	s12 =	smov.u32 s16;
	s11 =	smov.u32 s15;
	[sflag:s14] =	ssyncadd.s32 @!p1 $0xFFFFFF00  }
.LBB2_1:
0x2a: {  	p1 =	sge.u32 s12, s8  }
0x2b: {  	s14 =	sxor.u32 @!p1 $0xFFFFFFFF, s12  }
0x2c: {  	s31 =	sadd.s32 $0xFFFFFFFF, s12;
	s15 =	sshrl.u32 @!p1 s11, $0x3;
	s14 =	sshll.u32 @!p1 s14, $0x8  }
0x2d: {  	s16 =	sand.u32 @!p1 $0x7, s11;
	s15 =	sadd.s32 @!p1 s4, s15;
	s14 =	sand.u32 @!p1 $0x100, s14  }
0x2e: {  	[tilespmem:s14], [sflag:$0x2] =	stream.linear.gather @!p1 [hbm4b:s15+s16], $0x100, $0x38;
	[tilespmem:$0x400] =	vst v63  }
0x2f: {  	p1 =	sge.u32 s31, s8  }
.Ltmp2:
0x30: {  	_ = 	snop;
	(pc) =	sbr.rel @p1 .LBB2_5-.Ltmp2, $1  }
0x31: {  	_ =	sdelay $0x3  }
0x32: {  	s14 =	simm.s32 $0x1  }
0x33: {  	_ =	swait.ge [sflag:s7], $0x100;
	s14 =	simm.s32 @!p0 $0x0  }
0x34: {  	[sflag:s7] =	ssyncset.done $0x0;
	s14 =	sshll.u32 s14, $0x8  }
0x35: {  	[sflag:s7] =	ssyncadd.s32 $0xFFFFFF00;
	(ifvalue) =	ssetifvalue $0x7FFFFFFF;
	v0 =	vld.msk [tilespmem:s14+$0x0 ss:$0x1], $0xffff;
	_ =	sdelay $0x4  }
0x36: {  	s15 =	sadd.s32 $0x10, s14;
	v2 =	vshrl.u32 v0, $0x2  }
0x37: {  	v1 =	vld.msk [tilespmem:s15+$0x0 ss:$0x1], $0xffff;
	vm1 =	veq.s32 v0, $0x80000000;
	v2 =	vand.u32 $0x3FFF, v2  }
0x38: {  	v0 =	vand.u32 $0x3, v0;
	v2 =	vsel vm1, $0xFFFFFFFF, v2  }
0x39: {  	v0 =	vsel vm1, $0xFFFFFFFF, v0;
	v3 =	vshll.u32 v2, $0x2  }
0x3a: {  	v4 =	vand.u32 $0xFFFF0000, v0;
	v0 =	vshll.u32 v0, $0x7;
	v3 =	vand.u32 $0xFFFFFE00, v3  }
0x3b: {  	v0 =	vand.u32 $0x180, v0;
	v3 =	vadd.s32 v4, v3  }
0x3c: {  	v2 =	vand.u32 $0x7F, v2;
	v4 =	vshrl.u32 v1, $0x2;
	v0 =	vor.u32 v0, v3  }
0x3d: {  	vm1 =	veq.s32 v1, $0x80000000;
	v4 =	vand.u32 $0x3FFF, v4;
	v0 =	vor.u32 v2, v0  }
0x3e: {  	s16 =	sshll.u32 s12, $0x8;
	s15 =	sadd.s32 $0x10, s15;
	v1 =	vand.u32 $0x3, v1;
	v3 =	vsel vm1, $0xFFFFFFFF, v4  }
0x3f: {  	s17 =	sand.u32 $0x100, s16;
	v2 =	vsel vm1, $0xFFFFFFFF, v1;
	v1 =	vld.msk [tilespmem:s15+$0x0 ss:$0x1], $0xffff;
	v4 =	vshll.u32 v3, $0x2  }
0x40: {  	s16 =	sor.u32 $0x200, s14;
	s14 =	sor.u32 $0x200, s17;
	s17 =	simm.s32 $0x30;
	v5 =	vshll.u32 v2, $0x7;
	v6 =	vand.u32 $0xFFFF0000, v2;
	v4 =	vand.u32 $0xFFFFFE00, v4  }
0x41: {  	s18 =	sadd.s32 $0x10, s15;
	(ifvalue) =	ssetifvalue $0x7FFFFFFF;
	s15 =	sadd.s32 $0x10, s16;
	v2 =	vand.u32 $0x7F, v3;
	v3 =	vadd.s32 v6, v4;
	v4 =	vand.u32 $0x180, v5  }
.LBB2_3:
0x42: {  	[tilespmem:s16], [sflag:$0x1] =	stream.indirect_vreg.gather [hbm4b:s3+s10], $0x1, v0, vm0, $0x4038;
	[tilespmem:$0x400] =	vst v63  }
0x43: {  	s17 =	sadd.s32 $0x10, s17  }
0x44: {  	v5 =	vand.u32 $0x3, v1;
	v6 =	vshrl.u32 v1, $0x2;
	v3 =	vor.u32 v4, v3;
	v0 =	vmovc v1;
	v1 =	vld.msk [tilespmem:s18+$0x0 ss:$0x1], $0xffff;
	p1 =	slt.u32 s17, $0xF0  }
.Ltmp3:
0x45: {  	s16 =	smov.u32 s15;
	vm1 =	veq.s32 v0, $0x80000000;
	v4 =	vand.u32 $0x3FFF, v6;
	v0 =	vor.u32 v2, v3;
	(pc) =	sbr.rel @p1 .LBB2_3-.Ltmp3, $4  }
0x46: {  	v3 =	vsel vm1, $0xFFFFFFFF, v5;
	v4 =	vsel vm1, $0xFFFFFFFF, v4  }
0x47: {  	v2 =	vand.u32 $0x7F, v4;
	v4 =	vshll.u32 v4, $0x2;
	v5 =	vshll.u32 v3, $0x7  }
0x48: {  	v3 =	vand.u32 $0xFFFF0000, v3;
	v4 =	vand.u32 $0xFFFFFE00, v4  }
0x49: {  	s18 =	sadd.s32 $0x10, s18;
	s15 =	sadd.s32 $0x10, s15;
	v3 =	vadd.s32 v3, v4;
	v4 =	vand.u32 $0x180, v5;
	(ifvalue) =	ssetifvalue $0x7FFFFFFF  }
.Ltmp4:
0x4a: {  	_ = 	snop;
	(pc) =	sbr.rel .LBB2_4-.Ltmp4, $1  }
0x4b: {  	_ =	sdelay $0x3  }
.LBB2_6:
0x4c: {  	_ =	sfence.sel $0x180000  }
0x4d: {  	s2 =	simm.s32 $0x2;
	[bflag:$0x0] =	sbarrier.arrive $0xFFFF  }
0x4e: {  	s30 =	simm.s32 $0x3;
	[sflag:s2] =	ssyncpa.u1 $0x1  }
0x4f: {  	s31 =	simm.s32 $0x1;
	[sflag:s30] =	ssyncpa.u1 $0x1  }
0x50: {  	[sflag:s31] =	ssyncpa.u1 $0x1  }
0x51: {  	p0 =	sne.s32 s1, $0x0;
	_ =	strace $0x9000004A  }
0x52: {  	s0 =	sadd.s32 @!p0 $0x100000, s0;
	[bflag:$0x2] =	sbarrier.arrive $0xFFFF  }
0x53: {  	[sflag:s0] =	ssyncadd.tile.s32 @!p0 $0x1;
	_ =	shalt  }
.Lfunc_end2:
_tile_overlayer_lowered:
.L_overlay_start_2:
0x54: {  	(tag) =	ssettag $0x2  }
0x55: {  	s0 =	rddreg [dreg:$0x0];
	s2 =	stileid.u32  }
0x56: {  	s1 =	rddreg [dreg:$0x1];
	p0 =	sne.s32 s2, $0x0  }
0x57: {  	s3 =	rddreg [dreg:$0x2];
	[bflag:$0x3] =	sbarrier.arrive $0xFFFF;
	s2 =	simm.s32 @!p0 $0x1C01  }
0x58: {  	[timem:s3], [sflag:s2] =	dma.local @!p0 [hbm:s0], s1  }
0x59: {  	s0 =	simm.s32 @!p0 $0x1  }
0x5a: {  	_ =	swait.ge @!p0 [sflag:s0], s1  }
0x5b: {  	s1 =	ssub.s32 @!p0 $0x0, s1;
	[sflag:s0] =	ssyncset.done @!p0 $0x0  }
0x5c: {  	[sflag:s0] =	ssyncadd.s32 @!p0 s1  }
0x5d: {  	[bflag:$0x3] =	sbarrier.arrive $0xFFFF  }
0x5e: {  	_ =	shalt  }

// kernel: gather_offload_async_start.4
scs
__scs_entry_jumppad:
0x0: {  	(pc) =	sbr.rel $0x88, $3  }
0x1: {  	(tag) =	ssettag $0x0;
	lr =	simm.s32 $0x1  }
0x2: {  	[smem:$0x3F9E] =	sst lr;
	_ =	strace $0xD0000000  }
0x3: {  	_ = 	snop  }
0x4: {  	_ = 	snop  }
0x5: {  	_ = 	snop  }
0x6: {  	_ = 	snop  }
0x7: {  	_ = 	snop  }
__scs_overlays_trampoline_lowered:
0x8: {  	[smem:$0x3FAD] =	sst s0  }
0x9: {  	[smem:$0x3FAE] =	sst s1  }
0xa: {  	[smem:$0x3FAF] =	sst s2  }
0xb: {  	[smem:$0x3FB0] =	sst s3  }
0xc: {  	[smem:$0x3FB1] =	sst s4  }
0xd: {  	[smem:$0x3FB2] =	sst s5  }
0xe: {  	[smem:$0x3FB3] =	sst s6  }
0xf: {  	[smem:$0x3FB4] =	sst s7  }
0x10: {  	[smem:$0x3FB5] =	sst s8  }
0x11: {  	[smem:$0x3FB6] =	sst s9;
	s0 =	simm.s32 @!p0 $0x0  }
0x12: {  	s1 =	sld [smem:$0x3F9C];
	s0 =	simm.s32 @p0 $0x1  }
0x13: {  	[smem:$0x3FB7] =	sst s0;
	s0 =	simm.s32 @!p1 $0x0  }
0x14: {  	s2 =	sld [smem:$0x3F9B];
	s0 =	simm.s32 @p1 $0x1  }
0x15: {  	[smem:$0x3FB8] =	sst s0;
	s0 =	simm.s32 @!p2 $0x0  }
0x16: {  	s3 =	sld [smem:$0x3FDB];
	s0 =	simm.s32 @p2 $0x1  }
0x17: {  	s4 =	simm.s32 $0x1BF5;
	[smem:$0x3FBA] =	sst s0  }
0x18: {  	s0 =	sld [smem:$0x3F9D];
	_ =	swait.ge [sflag:s4], $0x0  }
0x19: {  	s7 =	sld [smem:$0x3F9E]  }
0x1a: {  	s8 =	sadd.s32 $0xFFFFE003, lr  }
0x1b: {  	s9 =	sadd.s32 $0xFFFFFEF7, lr;
	s5 =	simm.s32 $0xFFFFFFFF;
	p2 =	slt.u32 s8, $0xFFFFF086  }
0x1c: {  	p1 =	slt.u32 s9, $0xF7A;
	s5 =	simm.s32 @!p2 $0x0  }
0x1d: {  	s5 =	simm.s32 @p1 $0x1;
	p0 =	seq.s32 s7, s2  }
0x1e: {  	s7 =	smul.u32 @!p0 $0xF7A, s2;
	p2 =	seq.s32 @!p0 s5, $0x0  }
0x1f: {  	s9 =	smul.u32 $0xF7A, s1;
	s8 =	simm.s32 @!p0 $0x1BF5;
	p2 =	por !p2, p0  }
0x20: {  	[sflag:s8] =	ssyncset.s32 @!p0 $0xFFFFF086;
	s6 =	sadd.s32 @!p0 s3, s7;
	s7 =	simm.s32 @!p0 $0x108  }
0x21: {  	s3 =	sadd.s32 s3, s9;
	s6 =	sadd.s32 @!p0 $0x88, s6;
	s7 =	simm.s32 @p2 $0x1082  }
0x22: {  	[simem:s7], [sflag:s8] =	dma.local @!p0 [hbm:s6], $0xF7A  }
0x23: {  	s9 =	sor.u32 $0xD0000000, s2;
	s6 =	simm.s32 $0x108;
	_ =	swait.ge @!p0 [sflag:s8], $0x0  }
0x24: {  	s3 =	sadd.s32 $0x88, s3;
	s6 =	simm.s32 @!p1 $0x1082;
	[sflag:s4] =	ssyncset.s32 $0xFFFFF086  }
0x25: {  	[simem:s6], [sflag:s4] =	dma.local [hbm:s3], $0xF7A  }
0x26: {  	[smem:$0x3F9E] =	sst s1;
	(tag) =	ssettag s2;
	_ =	strace s9  }
0x27: {  	s1 =	sld [smem:$0x3FAE]  }
0x28: {  	s2 =	sld [smem:$0x3FAF]  }
0x29: {  	s4 =	sld [smem:$0x3FB1]  }
0x2a: {  	p0 =	seq.s32 s5, $0x0;
	s5 =	sld [smem:$0x3FB2]  }
0x2b: {  	s6 =	sld [smem:$0x3FB3]  }
0x2c: {  	s7 =	sld [smem:$0x3FB4]  }
0x2d: {  	s3 =	simm.s32 $0x108;
	s8 =	sld [smem:$0x3FB5]  }
0x2e: {  	s3 =	simm.s32 @!p0 $0x1082;
	s9 =	sld [smem:$0x3FB6]  }
0x2f: {  	lr =	sadd.s32 s0, s3;
	s0 =	sld [smem:$0x3FAD]  }
0x30: {  	s3 =	sld [smem:$0x3FB0]  }
0x31: {  	[smem:$0x3FB9] =	sst s10  }
0x32: {  	s10 =	sld [smem:$0x3FB7];
	_ =	sdelay $0x3  }
0x33: {  	p0 =	seq.s32 s10, $0x1;
	s10 =	sld [smem:$0x3FB9];
	_ =	sdelay $0x3  }
0x34: {  	[smem:$0x3FB9] =	sst s10  }
0x35: {  	s10 =	sld [smem:$0x3FB8];
	_ =	sdelay $0x3  }
0x36: {  	p1 =	seq.s32 s10, $0x1;
	s10 =	sld [smem:$0x3FB9];
	_ =	sdelay $0x3  }
0x37: {  	[smem:$0x3FB9] =	sst s10  }
0x38: {  	s10 =	sld [smem:$0x3FBA]  }
0x39: {  	_ = 	snop;
	(pc) =	sbr.ind lr, $3  }
0x3a: {  	_ = 	snop  }
0x3b: {  	_ = 	snop  }
0x3c: {  	p2 =	seq.s32 s10, $0x1;
	s10 =	sld [smem:$0x3FB9]  }
0x3d: {  	_ =	shalt  }
0x3e: {  	_ =	shalt  }
0x3f: {  	_ =	shalt  }
0x40: {  	_ =	shalt  }
0x41: {  	_ =	shalt  }
0x42: {  	_ =	shalt  }
0x43: {  	_ =	shalt  }
0x44: {  	_ =	shalt  }
0x45: {  	_ =	shalt  }
0x46: {  	_ =	shalt  }
0x47: {  	_ =	shalt  }
0x48: {  	_ =	shalt  }
0x49: {  	_ =	shalt  }
0x4a: {  	_ =	shalt  }
0x4b: {  	_ =	shalt  }
0x4c: {  	_ =	shalt  }
0x4d: {  	_ =	shalt  }
0x4e: {  	_ =	shalt  }
0x4f: {  	_ =	shalt  }
0x50: {  	_ =	shalt  }
0x51: {  	_ =	shalt  }
0x52: {  	_ =	shalt  }
0x53: {  	_ =	shalt  }
0x54: {  	_ =	shalt  }
0x55: {  	_ =	shalt  }
0x56: {  	_ =	shalt  }
0x57: {  	_ =	shalt  }
0x58: {  	_ =	shalt  }
0x59: {  	_ =	shalt  }
0x5a: {  	_ =	shalt  }
0x5b: {  	_ =	shalt  }
0x5c: {  	_ =	shalt  }
0x5d: {  	_ =	shalt  }
0x5e: {  	_ =	shalt  }
0x5f: {  	_ =	shalt  }
0x60: {  	_ =	shalt  }
0x61: {  	_ =	shalt  }
0x62: {  	_ =	shalt  }
0x63: {  	_ =	shalt  }
0x64: {  	_ =	shalt  }
0x65: {  	_ =	shalt  }
0x66: {  	_ =	shalt  }
0x67: {  	_ =	shalt  }
0x68: {  	_ =	shalt  }
0x69: {  	_ =	shalt  }
0x6a: {  	_ =	shalt  }
0x6b: {  	_ =	shalt  }
0x6c: {  	_ =	shalt  }
0x6d: {  	_ =	shalt  }
0x6e: {  	_ =	shalt  }
0x6f: {  	_ =	shalt  }
0x70: {  	_ =	shalt  }
0x71: {  	_ =	shalt  }
0x72: {  	_ =	shalt  }
0x73: {  	_ =	shalt  }
0x74: {  	_ =	shalt  }
0x75: {  	_ =	shalt  }
0x76: {  	_ =	shalt  }
0x77: {  	_ =	shalt  }
0x78: {  	_ =	shalt  }
0x79: {  	_ =	shalt  }
0x7a: {  	_ =	shalt  }
0x7b: {  	_ =	shalt  }
0x7c: {  	_ =	shalt  }
0x7d: {  	_ =	shalt  }
0x7e: {  	_ =	shalt  }
0x7f: {  	_ =	shalt  }
0x80: {  	_ =	shalt  }
0x81: {  	_ =	shalt  }
0x82: {  	_ =	shalt  }
0x83: {  	_ =	shalt  }
0x84: {  	_ =	shalt  }
0x85: {  	_ =	shalt  }
0x86: {  	_ =	shalt  }
0x87: {  	_ =	shalt  }
.Lfunc_end0:
.L_simem_size_0:
called_computation.4_lowered:
.L_overlay_start_0:
0x88: {  	s2 =	sld [smem:$0x3FD9]  }
0x89: {  	s3 =	sld [smem:$0x3FFE];
	_ =	sdelay $0x1  }
0x8a: {  	s1 =	srdreg.scid  }
0x8b: {  	s0 =	sand.u32 $0x1, s1  }
0x8c: {  	s16 =	sshll.u32 s0, $0xA;
	s2 =	sadd.s32 s3, s2  }
0x8d: {  	s2 =	sadd.s32 s2, s16  }
0x8e: {  	[smem:$0x3FC5] =	sst s2  }
0x8f: {  	_ = 	snop  }
0x90: {  	(tm) =	ssettm $0x1  }
0x91: {  	s17 =	sld [smem:$0x3FFB];
	_ =	sdelay $0x3  }
0x92: {  	_ =	strace s17  }
0x93: {  	s2 =	sld [smem:$0x3FFC];
	_ =	sdelay $0x3  }
0x94: {  	_ =	strace s2  }
0x95: {  	s2 =	sld [smem:$0x3FFD];
	_ =	sdelay $0x3  }
0x96: {  	_ =	strace s2  }
0x97: {  	_ =	strace $0x8FFFFFFF  }
0x98: {  	s18 =	sld [smem:$0x3FDB];
	_ =	sdelay $0x1  }
0x99: {  	s19 =	simm.s32 $_scs_section_size  }
0x9a: {  	s4 =	simm.s32 $_size__tile_overlayer_lowered;
	s5 =	simm.s32 $_tile_overlayer_lowered  }
0x9b: {  	s22 =	simm.s32 $0x1BFF;
	s21 =	sshll.u32 s5, $0x1;
	s2 =	sadd.s32 s19, s18  }
0x9c: {  	s6 =	simm.s32 $0x0;
	s20 =	sshll.u32 s4, $0x1;
	s4 =	sadd.s32 s21, s2  }
0x9d: {  	[timem:s6], [sflag:s22] =	dma.local [hbm:s4], s20  }
0x9e: {  	_ =	swait.ge [sflag:s22], s20  }
0x9f: {  	s3 =	ssub.s32 $0x0, s20;
	[sflag:s22] =	ssyncset.done $0x0  }
0xa0: {  	[sflag:s22] =	ssyncadd.s32 s3;
	_ =	sdelay $0x1  }
0xa1: {  	s23 =	simm.s32 $0x1B8B  }
0xa2: {  	_ =	swait.ge [sflag:s23], $0x1  }
0xa3: {  	[sflag:s23] =	ssyncset.done $0x0  }
0xa4: {  	s25 =	simm.s32 $0x1B8E;
	s24 =	sld [smem:$0x3FFE];
	[sflag:s23] =	ssyncadd.s32 $0xFFFFFFFF  }
0xa5: {  	s26 =	simm.s32 $execute0_lowered;
	[smem:$0x3FD2] =	sst s25  }
0xa6: {  	s4 =	sshll.u32 s26, $0x1;
	_ =	strace $0x80000052;
	[dreg:$0x1] =	wrdreg $0xFFFFFFFF  }
0xa7: {  	s28 =	simm.s32 $_size_execute0_lowered;
	s2 =	sadd.s32 s2, s4;
	[dreg:$0x0] =	wrdreg $0x0  }
0xa8: {  	s4 =	sshll.u32 s28, $0x1;
	[dreg:$0x2] =	wrdreg s2  }
0xa9: {  	[dreg:$0x3] =	wrdreg s4  }
0xaa: {  	[dreg:$0x4] =	wrdreg $0xC0  }
0xab: {  	_ =	task [dreg:s6], $0x5FFFF  }
0xac: {  	[dreg:$0x1] =	wrdreg $0xFFFFFFFF  }
0xad: {  	[dreg:$0x0] =	wrdreg $0x60  }
0xae: {  	[dreg:$0x2] =	wrdreg s24  }
0xaf: {  	[dreg:$0x3] =	wrdreg $0x9  }
0xb0: {  	_ =	task.clear_ibuf [dreg:s6], $0x4FFFF;
	_ =	strace $0x90000052  }
0xb1: {  	s29 =	simm.s32 $0x9;
	_ =	strace $0x80000054  }
0xb2: {  	_ =	swait.ge [sflag:s29], $0x1  }
0xb3: {  	[sflag:s29] =	ssyncadd.s32 $0xFFFFFFFF  }
0xb4: {  	_ =	strace $0x90000054  }
0xb5: {  	_ =	sfence  }
0xb6: {  	s30 =	sld [smem:$0x0];
	_ =	sdelay $0x2  }
0xb7: {  	s31 =	sshll.u32 s1, $0xD;
	s1 =	sshrl.u32 s1, $0x2  }
0xb8: {  	s3 =	sand.u32 $0x4000, s31;
	s1 =	sadd.s32 s1, s30  }
0xb9: {  	s0 =	sor.u32 s3, s0;
	s1 =	sshll.u32 s1, $0x11  }
0xba: {  	s0 =	sor.u32 s1, s0  }
0xbb: {  	s0 =	sadd.s32 $0x8F2B, s0  }
0xbc: {  	[sflag:s0] =	ssyncadd.remote.s32 $0x1  }
0xbd: {  	_ =	sfence.sel $0xFFFF  }
0xbe: {  	[dreg:$0x0] =	wrdreg $0xFFFFFFFF;
	(pc) =	sbr.abs _section_cstart, $3  }
0xbf: {  	[dreg:$0x1] =	wrdreg $0xFFFFFFFF  }
0xc0: {  	_ =	task.clear_ibuf [dreg:s6], $0x2FFFF;
	_ =	strace $0x9FFFFFFF  }
0xc1: {  	(tm) =	ssettm $0x7FFFFFFF  }
tec
execute0_lowered:
.L_overlay_start_1:
0x0: {  	(tag) =	ssettag $0x1  }
0x1: {  	s0 =	srdreg.scid  }
0x2: {  	s1 =	sshll.u32 s0, $0x4  }
0x3: {  	s0 =	stileid.u32;
	s1 =	sand.u32 $0x10, s1  }
0x4: {  	s1 =	sor.u32 s0, s1  }
0x5: {  	s6 =	simm.s32 $0x1;
	s2 =	smin.u32 s1, $0x1E;
	s3 =	sshll.u32 s1, $0xA  }
0x6: {  	p0 =	slt.u32 s1, $0x1E;
	s1 =	simm.s32 $0x500;
	s2 =	sshll.u32 s2, $0x8  }
0x7: {  	s7 =	simm.s32 $0x2;
	s1 =	simm.s32 @!p0 $0x400;
	s2 =	sadd.s32 s3, s2  }
0x8: {  	s10 =	simm.s32 $0x3;
	s13 =	simm.s32 $0x0;
	s4 =	sadd.s32 s1, s2  }
0x9: {  	s12 =	simm.s32 $0x0;
	s3 =	rddreg [dreg:$0x0];
	s4 =	smin.u32 s4, $0x9E00  }
.Ltmp0:
0xa: {  	s1 =	rddreg [dreg:$0x1];
	s8 =	ssub.s32 s4, s2;
	(pc) =	sbr.rel .LBB2_1-.Ltmp0, $4  }
0xb: {  	_ =	strace $0x80000053;
	s5 =	sadd.s32 $0x202400, s3;
	p0 =	sgt.s32 s8, $0x0  }
0xc: {  	s9 =	sadd.s32 $0xDC00, s3;
	[sflag:s6] =	ssyncpa.u1 $0x0;
	s8 =	simm.s32 @!p0 $0x0  }
0xd: {  	s11 =	smov.u32 s2;
	[sflag:s7] =	ssyncpa.u1 $0x0;
	s8 =	sshrl.u32 s8, $0x8  }
0xe: {  	vm0 =	vmmov $0xff;
	vm1 =	vcmask $0x3F20;
	[sflag:s10] =	ssyncpa.u1 $0x0;
	p0 =	por $0x0, $0x0;
	s10 =	sadd.s32 $0x1, s8  }
.LBB2_6:
0xf: {  	[hbm:s17] =	stream.linear.scatter [tilespmem:s14], [sflag:$0x3], $0x400, $0x38;
	[tilespmem:$0x10200] =	vst v63  }
.LBB2_7:
0x10: {  	s13 =	sadd.s32 $0x100, s11  }
0x11: {  	s15 =	smov.u32 s2;
	p2 =	slt.s32 s13, s4  }
0x12: {  	s15 =	smov.u32 @p2 s13;
	p2 =	sne.s32 s12, s10  }
.Ltmp1:
0x13: {  	p1 =	slt.u32 s12, $0x2;
	(pc) =	sbr.rel @!p2 .LBB2_8-.Ltmp1, $4  }
0x14: {  	s14 =	simm.s32 @!p1 $0x3  }
0x15: {  	s16 =	sadd.s32 $0x1, s12;
	_ =	swait.ge @!p1 [sflag:s14], $0x8000  }
0x16: {  	p0 =	por !p0, !p0;
	s13 =	smov.u32 s11;
	[sflag:s14] =	ssyncset.done @!p1 $0x0  }
0x17: {  	s12 =	smov.u32 s16;
	s11 =	smov.u32 s15;
	[sflag:s14] =	ssyncadd.s32 @!p1 $0xFFFF8000  }
.LBB2_1:
0x18: {  	p1 =	sge.u32 s12, s8  }
0x19: {  	s14 =	sxor.u32 @!p1 $0xFFFFFFFF, s12  }
0x1a: {  	s31 =	sadd.s32 $0xFFFFFFFF, s12;
	s15 =	sshrl.u32 @!p1 s11, $0x3;
	s14 =	sshll.u32 @!p1 s14, $0x8  }
0x1b: {  	s16 =	sand.u32 @!p1 $0x7, s11;
	s15 =	sadd.s32 @!p1 s3, s15;
	s14 =	sand.u32 @!p1 $0x100, s14  }
0x1c: {  	[tilespmem:s14], [sflag:$0x2] =	stream.linear.gather @!p1 [hbm4b:s15+s16], $0x100, $0x38;
	[tilespmem:$0x10200] =	vst v63  }
0x1d: {  	p1 =	sge.u32 s31, s8  }
.Ltmp2:
0x1e: {  	_ = 	snop;
	(pc) =	sbr.rel @p1 .LBB2_7-.Ltmp2, $1  }
0x1f: {  	_ =	sdelay $0x3  }
0x20: {  	s14 =	simm.s32 $0x1  }
0x21: {  	_ =	swait.ge [sflag:s7], $0x100;
	s14 =	simm.s32 @!p0 $0x0  }
0x22: {  	[sflag:s7] =	ssyncset.done $0x0;
	s16 =	sshll.u32 s14, $0x8  }
0x23: {  	[sflag:s7] =	ssyncadd.s32 $0xFFFFFF00;
	s15 =	sadd.s32 $0x0, s16  }
0x24: {  	v0 =	vld.msk [tilespmem:s15+$0x0 ss:$0x1], $0xffff;
	_ =	sdelay $0x4  }
0x25: {  	v1 =	vshll.u32 v0, $0x5  }
0x26: {  	vm2 =	veq.s32 v0, $0x80000000;
	v0 =	vshll.u32 v0, $0x15;
	v1 =	vand.u32 $0x1FFF80, v1  }
0x27: {  	v0 =	vand.u32 $0x600000, v0;
	v1 =	vsel vm2, $0xFFFFFF80, v1  }
0x28: {  	v0 =	vsel vm2, $0xFFE00000, v0;
	v2 =	vand.u32 $0xFFFFFC00, v1  }
0x29: {  	v1 =	vand.u32 $0x380, v1;
	v0 =	vadd.s32 v0, v2  }
0x2a: {  	v0 =	vor.u32 v1, v0  }
0x2b: {  	v0 =	vshrl.u32 v0, $0x3;
	_ =	sdelay $0x2  }
0x2c: {  	s14 =	sshll.u32 s14, $0xF  }
0x2d: {  	s14 =	sor.u32 $0x200, s14  }
0x2e: {  	[tilespmem:s14], [sflag:$0x1] =	stream.indirect_vreg.gather [hbm:s5], $0x80, v0, vm0, $0x38;
	[tilespmem:$0x10200] =	vst v63  }
0x2f: {  	s17 =	sadd.s32 $0x10, s16;
	s15 =	sadd.s32 $0x400, s14  }
0x30: {  	[tilespmem:s15], [sflag:$0x1] =	stream.indirect_vreg.gather [hbm:s5], $0x80, v0, vm1, $0x38;
	[tilespmem:$0x10200] =	vst v63  }
0x31: {  	s18 =	simm.s32 $0x80;
	v0 =	vld.msk [tilespmem:s17+$0x0 ss:$0x1], $0xffff;
	s17 =	smov.u32 s14  }
.LBB2_3:
0x32: {  	p1 =	sne.s32 s18, $0x3C0;
	_ =	sdelay $0x4  }
0x33: {  	v1 =	vshll.u32 v0, $0x5  }
0x34: {  	vm2 =	veq.s32 v0, $0x80000000;
	v0 =	vshll.u32 v0, $0x15;
	v1 =	vand.u32 $0x1FFF80, v1  }
0x35: {  	v0 =	vand.u32 $0x600000, v0;
	v1 =	vsel vm2, $0xFFFFFF80, v1  }
0x36: {  	v0 =	vsel vm2, $0xFFE00000, v0;
	v2 =	vand.u32 $0xFFFFFC00, v1  }
0x37: {  	v1 =	vand.u32 $0x380, v1;
	v0 =	vadd.s32 v0, v2  }
0x38: {  	v0 =	vor.u32 v1, v0  }
0x39: {  	v0 =	vshrl.u32 v0, $0x3;
	_ =	sdelay $0x3  }
.Ltmp3:
0x3a: {  	s19 =	sshra.s32 s18, $0x2;
	s17 =	sadd.s32 $0x800, s17;
	(pc) =	sbr.rel @p1 .LBB2_3-.Ltmp3, $4  }
0x3b: {  	[tilespmem:s17], [sflag:$0x1] =	stream.indirect_vreg.gather [hbm:s5], $0x80, v0, vm0, $0x38;
	[tilespmem:$0x10200] =	vst v63  }
0x3c: {  	s19 =	sadd.s32 s19, s16;
	s20 =	sadd.s32 $0x400, s17  }
0x3d: {  	[tilespmem:s20], [sflag:$0x1] =	stream.indirect_vreg.gather [hbm:s5], $0x80, v0, vm1, $0x38;
	[tilespmem:$0x10200] =	vst v63  }
0x3e: {  	s18 =	sadd.s32 $0x40, s18;
	v0 =	vld.msk [tilespmem:s19+$0x0 ss:$0x1], $0xffff  }
0x3f: {  	_ =	sdelay $0x3  }
0x40: {  	v1 =	vshll.u32 v0, $0x5  }
0x41: {  	vm2 =	veq.s32 v0, $0x80000000;
	v63 =	vshll.u32 v0, $0x15;
	v1 =	vand.u32 $0x1FFF80, v1  }
0x42: {  	v0 =	vand.u32 $0x600000, v63;
	v1 =	vsel vm2, $0xFFFFFF80, v1  }
0x43: {  	v0 =	vsel vm2, $0xFFE00000, v0;
	v2 =	vand.u32 $0xFFFFFC00, v1  }
0x44: {  	v1 =	vand.u32 $0x380, v1;
	v0 =	vadd.s32 v0, v2  }
0x45: {  	v0 =	vor.u32 v1, v0  }
0x46: {  	v0 =	vshrl.u32 v0, $0x3;
	_ =	sdelay $0x3  }
0x47: {  	s16 =	sadd.s32 $0x800, s17  }
0x48: {  	[tilespmem:s16], [sflag:$0x1] =	stream.indirect_vreg.gather [hbm:s5], $0x80, v0, vm0, $0x38;
	[tilespmem:$0x10200] =	vst v63  }
0x49: {  	s16 =	sadd.s32 $0x400, s16  }
0x4a: {  	[tilespmem:s16], [sflag:$0x1] =	stream.indirect_vreg.gather [hbm:s5], $0x80, v0, vm1, $0x38;
	[tilespmem:$0x10200] =	vst v63  }
0x4b: {  	s13 =	sshll.u32 s13, $0x4;
	_ =	swait.ge [sflag:s6], $0x8000  }
0x4c: {  	s13 =	sadd.s32 s13, s9;
	[sflag:s6] =	ssyncset.done $0x0  }
0x4d: {  	s17 =	sadd.s32 $0x0, s13;
	s16 =	simm.s32 $0x80;
	[sflag:s6] =	ssyncadd.s32 $0xFFFF8000  }
.LBB2_5:
0x4e: {  	[hbm:s17] =	stream.linear.scatter [tilespmem:s14], [sflag:$0x3], $0x400, $0x38;
	[tilespmem:$0x10200] =	vst v63  }
0x4f: {  	s17 =	smov.u32 s16;
	s14 =	smov.u32 s15;
	p1 =	sne.s32 s16, $0xF80  }
.Ltmp4:
0x50: {  	s16 =	sadd.s32 $0x80, s16;
	(pc) =	sbr.rel @p1 .LBB2_5-.Ltmp4, $2  }
0x51: {  	_ =	sdelay $0x2  }
0x52: {  	s15 =	sadd.s32 $0x400, s15;
	s17 =	sadd.s32 s17, s13  }
.Ltmp5:
0x53: {  	_ = 	snop;
	(pc) =	sbr.rel .LBB2_6-.Ltmp5, $1  }
0x54: {  	_ =	sdelay $0x3  }
.LBB2_8:
0x55: {  	_ =	sfence.sel $0x180000  }
0x56: {  	s2 =	simm.s32 $0x2;
	[bflag:$0x0] =	sbarrier.arrive $0xFFFF  }
0x57: {  	s30 =	simm.s32 $0x3;
	[sflag:s2] =	ssyncpa.u1 $0x1  }
0x58: {  	s31 =	simm.s32 $0x1;
	[sflag:s30] =	ssyncpa.u1 $0x1  }
0x59: {  	[sflag:s31] =	ssyncpa.u1 $0x1  }
0x5a: {  	p0 =	sne.s32 s0, $0x0;
	_ =	strace $0x90000053  }
0x5b: {  	s0 =	sadd.s32 @!p0 $0x100000, s1;
	[bflag:$0x2] =	sbarrier.arrive $0xFFFF  }
0x5c: {  	[sflag:s0] =	ssyncadd.tile.s32 @!p0 $0x1;
	_ =	shalt  }
.Lfunc_end2:
_tile_overlayer_lowered:
.L_overlay_start_2:
0x5d: {  	(tag) =	ssettag $0x2  }
0x5e: {  	s0 =	rddreg [dreg:$0x0];
	s2 =	stileid.u32  }
0x5f: {  	s1 =	rddreg [dreg:$0x1];
	p0 =	sne.s32 s2, $0x0  }
0x60: {  	s3 =	rddreg [dreg:$0x2];
	[bflag:$0x3] =	sbarrier.arrive $0xFFFF;
	s2 =	simm.s32 @!p0 $0x1C01  }
0x61: {  	[timem:s3], [sflag:s2] =	dma.local @!p0 [hbm:s0], s1  }
0x62: {  	s0 =	simm.s32 @!p0 $0x1  }
0x63: {  	_ =	swait.ge @!p0 [sflag:s0], s1  }
0x64: {  	s1 =	ssub.s32 @!p0 $0x0, s1;
	[sflag:s0] =	ssyncset.done @!p0 $0x0  }
0x65: {  	[sflag:s0] =	ssyncadd.s32 @!p0 s1  }
0x66: {  	[bflag:$0x3] =	sbarrier.arrive $0xFFFF  }
0x67: {  	_ =	shalt  }

// kernel: gather_offload_async_start.5
scs
__scs_entry_jumppad:
0x0: {  	(pc) =	sbr.rel $0x88, $3  }
0x1: {  	(tag) =	ssettag $0x0;
	lr =	simm.s32 $0x1  }
0x2: {  	[smem:$0x3F9E] =	sst lr;
	_ =	strace $0xD0000000  }
0x3: {  	_ = 	snop  }
0x4: {  	_ = 	snop  }
0x5: {  	_ = 	snop  }
0x6: {  	_ = 	snop  }
0x7: {  	_ = 	snop  }
__scs_overlays_trampoline_lowered:
0x8: {  	[smem:$0x3FAD] =	sst s0  }
0x9: {  	[smem:$0x3FAE] =	sst s1  }
0xa: {  	[smem:$0x3FAF] =	sst s2  }
0xb: {  	[smem:$0x3FB0] =	sst s3  }
0xc: {  	[smem:$0x3FB1] =	sst s4  }
0xd: {  	[smem:$0x3FB2] =	sst s5  }
0xe: {  	[smem:$0x3FB3] =	sst s6  }
0xf: {  	[smem:$0x3FB4] =	sst s7  }
0x10: {  	[smem:$0x3FB5] =	sst s8  }
0x11: {  	[smem:$0x3FB6] =	sst s9;
	s0 =	simm.s32 @!p0 $0x0  }
0x12: {  	s1 =	sld [smem:$0x3F9C];
	s0 =	simm.s32 @p0 $0x1  }
0x13: {  	[smem:$0x3FB7] =	sst s0;
	s0 =	simm.s32 @!p1 $0x0  }
0x14: {  	s2 =	sld [smem:$0x3F9B];
	s0 =	simm.s32 @p1 $0x1  }
0x15: {  	[smem:$0x3FB8] =	sst s0;
	s0 =	simm.s32 @!p2 $0x0  }
0x16: {  	s3 =	sld [smem:$0x3FDB];
	s0 =	simm.s32 @p2 $0x1  }
0x17: {  	s4 =	simm.s32 $0x1BF5;
	[smem:$0x3FBA] =	sst s0  }
0x18: {  	s0 =	sld [smem:$0x3F9D];
	_ =	swait.ge [sflag:s4], $0x0  }
0x19: {  	s7 =	sld [smem:$0x3F9E]  }
0x1a: {  	s8 =	sadd.s32 $0xFFFFE003, lr  }
0x1b: {  	s9 =	sadd.s32 $0xFFFFFEF7, lr;
	s5 =	simm.s32 $0xFFFFFFFF;
	p2 =	slt.u32 s8, $0xFFFFF086  }
0x1c: {  	p1 =	slt.u32 s9, $0xF7A;
	s5 =	simm.s32 @!p2 $0x0  }
0x1d: {  	s5 =	simm.s32 @p1 $0x1;
	p0 =	seq.s32 s7, s2  }
0x1e: {  	s7 =	smul.u32 @!p0 $0xF7A, s2;
	p2 =	seq.s32 @!p0 s5, $0x0  }
0x1f: {  	s9 =	smul.u32 $0xF7A, s1;
	s8 =	simm.s32 @!p0 $0x1BF5;
	p2 =	por !p2, p0  }
0x20: {  	[sflag:s8] =	ssyncset.s32 @!p0 $0xFFFFF086;
	s6 =	sadd.s32 @!p0 s3, s7;
	s7 =	simm.s32 @!p0 $0x108  }
0x21: {  	s3 =	sadd.s32 s3, s9;
	s6 =	sadd.s32 @!p0 $0x88, s6;
	s7 =	simm.s32 @p2 $0x1082  }
0x22: {  	[simem:s7], [sflag:s8] =	dma.local @!p0 [hbm:s6], $0xF7A  }
0x23: {  	s9 =	sor.u32 $0xD0000000, s2;
	s6 =	simm.s32 $0x108;
	_ =	swait.ge @!p0 [sflag:s8], $0x0  }
0x24: {  	s3 =	sadd.s32 $0x88, s3;
	s6 =	simm.s32 @!p1 $0x1082;
	[sflag:s4] =	ssyncset.s32 $0xFFFFF086  }
0x25: {  	[simem:s6], [sflag:s4] =	dma.local [hbm:s3], $0xF7A  }
0x26: {  	[smem:$0x3F9E] =	sst s1;
	(tag) =	ssettag s2;
	_ =	strace s9  }
0x27: {  	s1 =	sld [smem:$0x3FAE]  }
0x28: {  	s2 =	sld [smem:$0x3FAF]  }
0x29: {  	s4 =	sld [smem:$0x3FB1]  }
0x2a: {  	p0 =	seq.s32 s5, $0x0;
	s5 =	sld [smem:$0x3FB2]  }
0x2b: {  	s6 =	sld [smem:$0x3FB3]  }
0x2c: {  	s7 =	sld [smem:$0x3FB4]  }
0x2d: {  	s3 =	simm.s32 $0x108;
	s8 =	sld [smem:$0x3FB5]  }
0x2e: {  	s3 =	simm.s32 @!p0 $0x1082;
	s9 =	sld [smem:$0x3FB6]  }
0x2f: {  	lr =	sadd.s32 s0, s3;
	s0 =	sld [smem:$0x3FAD]  }
0x30: {  	s3 =	sld [smem:$0x3FB0]  }
0x31: {  	[smem:$0x3FB9] =	sst s10  }
0x32: {  	s10 =	sld [smem:$0x3FB7];
	_ =	sdelay $0x3  }
0x33: {  	p0 =	seq.s32 s10, $0x1;
	s10 =	sld [smem:$0x3FB9];
	_ =	sdelay $0x3  }
0x34: {  	[smem:$0x3FB9] =	sst s10  }
0x35: {  	s10 =	sld [smem:$0x3FB8];
	_ =	sdelay $0x3  }
0x36: {  	p1 =	seq.s32 s10, $0x1;
	s10 =	sld [smem:$0x3FB9];
	_ =	sdelay $0x3  }
0x37: {  	[smem:$0x3FB9] =	sst s10  }
0x38: {  	s10 =	sld [smem:$0x3FBA]  }
0x39: {  	_ = 	snop;
	(pc) =	sbr.ind lr, $3  }
0x3a: {  	_ = 	snop  }
0x3b: {  	_ = 	snop  }
0x3c: {  	p2 =	seq.s32 s10, $0x1;
	s10 =	sld [smem:$0x3FB9]  }
0x3d: {  	_ =	shalt  }
0x3e: {  	_ =	shalt  }
0x3f: {  	_ =	shalt  }
0x40: {  	_ =	shalt  }
0x41: {  	_ =	shalt  }
0x42: {  	_ =	shalt  }
0x43: {  	_ =	shalt  }
0x44: {  	_ =	shalt  }
0x45: {  	_ =	shalt  }
0x46: {  	_ =	shalt  }
0x47: {  	_ =	shalt  }
0x48: {  	_ =	shalt  }
0x49: {  	_ =	shalt  }
0x4a: {  	_ =	shalt  }
0x4b: {  	_ =	shalt  }
0x4c: {  	_ =	shalt  }
0x4d: {  	_ =	shalt  }
0x4e: {  	_ =	shalt  }
0x4f: {  	_ =	shalt  }
0x50: {  	_ =	shalt  }
0x51: {  	_ =	shalt  }
0x52: {  	_ =	shalt  }
0x53: {  	_ =	shalt  }
0x54: {  	_ =	shalt  }
0x55: {  	_ =	shalt  }
0x56: {  	_ =	shalt  }
0x57: {  	_ =	shalt  }
0x58: {  	_ =	shalt  }
0x59: {  	_ =	shalt  }
0x5a: {  	_ =	shalt  }
0x5b: {  	_ =	shalt  }
0x5c: {  	_ =	shalt  }
0x5d: {  	_ =	shalt  }
0x5e: {  	_ =	shalt  }
0x5f: {  	_ =	shalt  }
0x60: {  	_ =	shalt  }
0x61: {  	_ =	shalt  }
0x62: {  	_ =	shalt  }
0x63: {  	_ =	shalt  }
0x64: {  	_ =	shalt  }
0x65: {  	_ =	shalt  }
0x66: {  	_ =	shalt  }
0x67: {  	_ =	shalt  }
0x68: {  	_ =	shalt  }
0x69: {  	_ =	shalt  }
0x6a: {  	_ =	shalt  }
0x6b: {  	_ =	shalt  }
0x6c: {  	_ =	shalt  }
0x6d: {  	_ =	shalt  }
0x6e: {  	_ =	shalt  }
0x6f: {  	_ =	shalt  }
0x70: {  	_ =	shalt  }
0x71: {  	_ =	shalt  }
0x72: {  	_ =	shalt  }
0x73: {  	_ =	shalt  }
0x74: {  	_ =	shalt  }
0x75: {  	_ =	shalt  }
0x76: {  	_ =	shalt  }
0x77: {  	_ =	shalt  }
0x78: {  	_ =	shalt  }
0x79: {  	_ =	shalt  }
0x7a: {  	_ =	shalt  }
0x7b: {  	_ =	shalt  }
0x7c: {  	_ =	shalt  }
0x7d: {  	_ =	shalt  }
0x7e: {  	_ =	shalt  }
0x7f: {  	_ =	shalt  }
0x80: {  	_ =	shalt  }
0x81: {  	_ =	shalt  }
0x82: {  	_ =	shalt  }
0x83: {  	_ =	shalt  }
0x84: {  	_ =	shalt  }
0x85: {  	_ =	shalt  }
0x86: {  	_ =	shalt  }
0x87: {  	_ =	shalt  }
.Lfunc_end0:
.L_simem_size_0:
called_computation.5_lowered:
.L_overlay_start_0:
0x88: {  	s2 =	sld [smem:$0x3FD9]  }
0x89: {  	s3 =	sld [smem:$0x3FFE];
	_ =	sdelay $0x1  }
0x8a: {  	s1 =	srdreg.scid  }
0x8b: {  	s0 =	sand.u32 $0x1, s1  }
0x8c: {  	s14 =	sshll.u32 s0, $0xA;
	s2 =	sadd.s32 s3, s2  }
0x8d: {  	s2 =	sadd.s32 s2, s14  }
0x8e: {  	[smem:$0x3FC5] =	sst s2  }
0x8f: {  	_ = 	snop  }
0x90: {  	s2 =	sld [smem:$0x3FD0];
	_ =	sdelay $0x2  }
0x91: {  	s15 =	simm.s32 $0xA;
	s4 =	simm.s32 $0x10  }
0x92: {  	[smem:s4], [sflag:s15] =	dma.local [hbm:s2], $0x1  }
0x93: {  	_ =	swait.eq [sflag:s15], $0x1  }
0x94: {  	[sflag:s15] =	ssyncset.done $0x0  }
0x95: {  	[sflag:s15] =	ssyncadd.s32 $0xFFFFFFFF  }
0x96: {  	s16 =	sld [smem:$0x10];
	(tm) =	ssettm $0x1  }
0x97: {  	s17 =	sld [smem:$0x3FFB];
	_ =	sdelay $0x3  }
0x98: {  	_ =	strace s17  }
0x99: {  	s3 =	sld [smem:$0x3FFC];
	_ =	sdelay $0x3  }
0x9a: {  	_ =	strace s3  }
0x9b: {  	s3 =	sld [smem:$0x3FFD];
	_ =	sdelay $0x3  }
0x9c: {  	_ =	strace s3  }
0x9d: {  	_ =	strace $0x8FFFFFFF  }
0x9e: {  	s18 =	sld [smem:$0x3FDB];
	_ =	sdelay $0x1  }
0x9f: {  	s19 =	simm.s32 $_scs_section_size  }
0xa0: {  	s5 =	simm.s32 $_size__tile_overlayer_lowered;
	s6 =	simm.s32 $_tile_overlayer_lowered  }
0xa1: {  	s22 =	simm.s32 $0x1BFF;
	s21 =	sshll.u32 s6, $0x1;
	s3 =	sadd.s32 s19, s18  }
0xa2: {  	s7 =	simm.s32 $0x0;
	s20 =	sshll.u32 s5, $0x1;
	s5 =	sadd.s32 s21, s3  }
0xa3: {  	[timem:s7], [sflag:s22] =	dma.local [hbm:s5], s20  }
0xa4: {  	_ =	swait.ge [sflag:s22], s20  }
0xa5: {  	s4 =	ssub.s32 $0x0, s20;
	[sflag:s22] =	ssyncset.done $0x0  }
0xa6: {  	[sflag:s22] =	ssyncadd.s32 s4;
	_ =	sdelay $0x1  }
0xa7: {  	s23 =	simm.s32 $0x1B8B  }
0xa8: {  	_ =	swait.ge [sflag:s23], $0x1  }
0xa9: {  	[sflag:s23] =	ssyncset.done $0x0  }
0xaa: {  	s25 =	simm.s32 $0x1B8E;
	s24 =	sld [smem:$0x3FFE];
	[sflag:s23] =	ssyncadd.s32 $0xFFFFFFFF  }
0xab: {  	s26 =	simm.s32 $execute0_lowered;
	[smem:$0x3FD2] =	sst s25  }
0xac: {  	s5 =	sshll.u32 s26, $0x1;
	_ =	strace $0x80000058;
	[dreg:$0x1] =	wrdreg $0xFFFFFFFF  }
0xad: {  	s28 =	simm.s32 $_size_execute0_lowered;
	s3 =	sadd.s32 s3, s5;
	[dreg:$0x0] =	wrdreg $0x0  }
0xae: {  	s5 =	sshll.u32 s28, $0x1;
	[dreg:$0x2] =	wrdreg s3  }
0xaf: {  	[dreg:$0x3] =	wrdreg s5  }
0xb0: {  	[dreg:$0x4] =	wrdreg $0xC0  }
0xb1: {  	_ =	task [dreg:s7], $0x5FFFF  }
0xb2: {  	[dreg:$0x1] =	wrdreg $0xFFFFFFFF  }
0xb3: {  	[dreg:$0x0] =	wrdreg $0x60  }
0xb4: {  	[dreg:$0x2] =	wrdreg s24  }
0xb5: {  	[dreg:$0x3] =	wrdreg s16  }
0xb6: {  	[dreg:$0x4] =	wrdreg $0x9  }
0xb7: {  	_ =	task.clear_ibuf [dreg:s7], $0x5FFFF;
	_ =	strace $0x90000058  }
0xb8: {  	s29 =	simm.s32 $0x9;
	_ =	strace $0x8000005A  }
0xb9: {  	_ =	swait.ge [sflag:s29], $0x1  }
0xba: {  	[sflag:s29] =	ssyncadd.s32 $0xFFFFFFFF  }
0xbb: {  	_ =	strace $0x9000005A  }
0xbc: {  	_ =	sfence  }
0xbd: {  	s30 =	sld [smem:$0x0];
	_ =	sdelay $0x2  }
0xbe: {  	s31 =	sshll.u32 s1, $0xD;
	s1 =	sshrl.u32 s1, $0x2  }
0xbf: {  	s3 =	sand.u32 $0x4000, s31;
	s1 =	sadd.s32 s1, s30  }
0xc0: {  	s0 =	sor.u32 s3, s0;
	s1 =	sshll.u32 s1, $0x11  }
0xc1: {  	s0 =	sor.u32 s1, s0  }
0xc2: {  	s0 =	sadd.s32 $0x8F2B, s0  }
0xc3: {  	[sflag:s0] =	ssyncadd.remote.s32 $0x1  }
0xc4: {  	_ =	sfence.sel $0xFFFF  }
0xc5: {  	[dreg:$0x0] =	wrdreg $0xFFFFFFFF;
	(pc) =	sbr.abs _section_cstart, $3  }
0xc6: {  	[dreg:$0x1] =	wrdreg $0xFFFFFFFF  }
0xc7: {  	_ =	task.clear_ibuf [dreg:s7], $0x2FFFF;
	_ =	strace $0x9FFFFFFF  }
0xc8: {  	(tm) =	ssettm $0x7FFFFFFF  }
0xc9: {  	_ =	shalt  }
tec
execute0_lowered:
.L_overlay_start_1:
0x0: {  	(tag) =	ssettag $0x1  }
0x1: {  	s7 =	rddreg [dreg:$0x0]  }
0x2: {  	s2 =	rddreg [dreg:$0x1]  }
0x3: {  	s0 =	rddreg [dreg:$0x2]  }
0x4: {  	s1 =	srdreg.scid;
	_ =	strace $0x80000059;
	s4 =	simm.s32 $0x1  }
0x5: {  	s9 =	simm.s32 $0x3;
	s12 =	simm.s32 $0x0;
	s5 =	sshll.u32 s1, $0x4  }
.Ltmp0:
0x6: {  	s1 =	stileid.u32;
	s5 =	sand.u32 $0x10, s5;
	(pc) =	sbr.rel .LBB2_1-.Ltmp0, $4  }
0x7: {  	s10 =	simm.s32 $0x0;
	s3 =	sadd.s32 $0x202400, s7;
	s6 =	sor.u32 s1, s5  }
0x8: {  	[sflag:s4] =	ssyncpa.u1 $0x0;
	s5 =	simm.s32 $0x2;
	s6 =	sshll.u32 s6, $0x6  }
0x9: {  	s7 =	sadd.s32 $0x5400, s7;
	[sflag:s5] =	ssyncpa.u1 $0x0;
	s8 =	sadd.s32 $0x40, s6  }
0xa: {  	vm0 =	vmmov $0xff;
	vm1 =	vcmask $0x3F20;
	[sflag:s9] =	ssyncpa.u1 $0x0;
	s9 =	simm.s32 $0x40;
	s11 =	smov.u32 s6  }
.LBB2_9:
0xb: {  	p0 =	seq.s32 s10, $0x2  }
.Ltmp1:
0xc: {  	_ = 	snop;
	(pc) =	sbr.rel @p0 .LBB2_11-.Ltmp1, $1  }
0xd: {  	_ =	sdelay $0x3  }
.LBB2_10:
0xe: {  	s12 =	sadd.s32 $0x40, s11  }
0xf: {  	s13 =	smov.u32 s6;
	p0 =	slt.s32 s12, s8  }
0x10: {  	s13 =	smov.u32 @p0 s12  }
0x11: {  	s10 =	sadd.s32 $0x1, s10;
	s12 =	smov.u32 s11;
	s11 =	smov.u32 s13  }
.LBB2_1:
0x12: {  	p0 =	sne.s32 s10, $0x0  }
.Ltmp2:
0x13: {  	_ = 	snop;
	(pc) =	sbr.rel @!p0 .LBB2_2-.Ltmp2, $1  }
0x14: {  	_ =	sdelay $0x3  }
0x15: {  	s13 =	sand.u32 $0x1, s10  }
0x16: {  	p0 =	seq.s32 s13, $0x0  }
.Ltmp3:
0x17: {  	_ = 	snop;
	(pc) =	sbr.rel @p0 .LBB2_9-.Ltmp3, $1  }
0x18: {  	_ =	sdelay $0x3  }
0x19: {  	_ =	swait.ge [sflag:s5], $0x40  }
0x1a: {  	[sflag:s5] =	ssyncset.done $0x0  }
0x1b: {  	s13 =	simm.s32 $0x0;
	[sflag:s5] =	ssyncadd.s32 $0xFFFFFFC0  }
0x1c: {  	v0 =	vld.msk [tilespmem:s13+$0x40 ss:$0x1], $0xffff;
	_ =	sdelay $0x4  }
0x1d: {  	v1 =	vshll.u32 v0, $0x5  }
0x1e: {  	vm2 =	veq.s32 v0, $0x80000000;
	v0 =	vshll.u32 v0, $0x15;
	v1 =	vand.u32 $0x1FFF80, v1  }
0x1f: {  	v0 =	vand.u32 $0x600000, v0;
	v1 =	vsel vm2, $0xFFFFFF80, v1  }
0x20: {  	v0 =	vsel vm2, $0xFFE00000, v0;
	v2 =	vand.u32 $0xFFFFFC00, v1  }
0x21: {  	v1 =	vand.u32 $0x380, v1;
	v0 =	vadd.s32 v0, v2  }
0x22: {  	v0 =	vor.u32 v1, v0  }
0x23: {  	v0 =	vshrl.u32 v0, $0x3;
	_ =	sdelay $0x3  }
0x24: {  	s13 =	simm.s32 $0x2080  }
0x25: {  	[tilespmem:s13], [sflag:$0x1] =	stream.indirect_vreg.gather [hbm:s3], $0x80, v0, vm0, $0x38;
	[tilespmem:$0x4080] =	vst v63  }
0x26: {  	s14 =	simm.s32 $0x2480;
	s31 =	simm.s32 $0x10  }
0x27: {  	[tilespmem:s14], [sflag:$0x1] =	stream.indirect_vreg.gather [hbm:s3], $0x80, v0, vm1, $0x38;
	[tilespmem:$0x4080] =	vst v63  }
0x28: {  	s14 =	simm.s32 $0x80;
	v0 =	vld.msk [tilespmem:s31+$0x40 ss:$0x1], $0xffff  }
.LBB2_5:
0x29: {  	p0 =	sne.s32 s14, $0xC0;
	_ =	sdelay $0x4  }
0x2a: {  	v1 =	vshll.u32 v0, $0x5  }
0x2b: {  	vm2 =	veq.s32 v0, $0x80000000;
	v0 =	vshll.u32 v0, $0x15;
	v1 =	vand.u32 $0x1FFF80, v1  }
0x2c: {  	v0 =	vand.u32 $0x600000, v0;
	v1 =	vsel vm2, $0xFFFFFF80, v1  }
0x2d: {  	v0 =	vsel vm2, $0xFFE00000, v0;
	v2 =	vand.u32 $0xFFFFFC00, v1  }
0x2e: {  	v1 =	vand.u32 $0x380, v1;
	v0 =	vadd.s32 v0, v2  }
0x2f: {  	v0 =	vor.u32 v1, v0  }
0x30: {  	v0 =	vshrl.u32 v0, $0x3;
	_ =	sdelay $0x3  }
.Ltmp4:
0x31: {  	s13 =	sadd.s32 $0x800, s13;
	(pc) =	sbr.rel @p0 .LBB2_5-.Ltmp4, $4  }
0x32: {  	[tilespmem:s13], [sflag:$0x1] =	stream.indirect_vreg.gather [hbm:s3], $0x80, v0, vm0, $0x38;
	[tilespmem:$0x4080] =	vst v63  }
0x33: {  	s15 =	sshra.s32 s14, $0x2;
	s16 =	sadd.s32 $0x400, s13  }
0x34: {  	[tilespmem:s16], [sflag:$0x1] =	stream.indirect_vreg.gather [hbm:s3], $0x80, v0, vm1, $0x38;
	[tilespmem:$0x4080] =	vst v63  }
0x35: {  	s14 =	sadd.s32 $0x40, s14;
	v0 =	vld.msk [tilespmem:s15+$0x40 ss:$0x1], $0xffff  }
0x36: {  	_ =	sdelay $0x3  }
0x37: {  	v1 =	vshll.u32 v0, $0x5  }
0x38: {  	vm2 =	veq.s32 v0, $0x80000000;
	v63 =	vshll.u32 v0, $0x15;
	v1 =	vand.u32 $0x1FFF80, v1  }
0x39: {  	v0 =	vand.u32 $0x600000, v63;
	v1 =	vsel vm2, $0xFFFFFF80, v1  }
0x3a: {  	v0 =	vsel vm2, $0xFFE00000, v0;
	v2 =	vand.u32 $0xFFFFFC00, v1  }
0x3b: {  	v1 =	vand.u32 $0x380, v1;
	v0 =	vadd.s32 v0, v2  }
0x3c: {  	v0 =	vor.u32 v1, v0  }
0x3d: {  	v0 =	vshrl.u32 v0, $0x3;
	_ =	sdelay $0x3  }
0x3e: {  	s13 =	sadd.s32 $0x800, s13  }
0x3f: {  	[tilespmem:s13], [sflag:$0x1] =	stream.indirect_vreg.gather [hbm:s3], $0x80, v0, vm0, $0x38;
	[tilespmem:$0x4080] =	vst v63  }
0x40: {  	s13 =	sadd.s32 $0x400, s13  }
0x41: {  	[tilespmem:s13], [sflag:$0x1] =	stream.indirect_vreg.gather [hbm:s3], $0x80, v0, vm1, $0x38;
	[tilespmem:$0x4080] =	vst v63  }
0x42: {  	s12 =	sshll.u32 s12, $0x4;
	s14 =	simm.s32 $0x80;
	_ =	swait.ge [sflag:s4], $0x2000  }
0x43: {  	s15 =	simm.s32 $0x2480;
	s12 =	sadd.s32 s12, s7;
	[sflag:s4] =	ssyncset.done $0x0  }
0x44: {  	s16 =	sadd.s32 $0x0, s12;
	s13 =	simm.s32 $0x2080;
	[sflag:s4] =	ssyncadd.s32 $0xFFFFE000  }
.LBB2_7:
0x45: {  	[hbm:s16] =	stream.linear.scatter [tilespmem:s13], [sflag:$0x3], $0x400, $0x38;
	[tilespmem:$0x4080] =	vst v63  }
0x46: {  	s16 =	smov.u32 s14;
	s13 =	smov.u32 s15;
	p0 =	sne.s32 s14, $0x380  }
.Ltmp5:
0x47: {  	s14 =	sadd.s32 $0x80, s14;
	(pc) =	sbr.rel @p0 .LBB2_7-.Ltmp5, $2  }
0x48: {  	_ =	sdelay $0x2  }
0x49: {  	s15 =	sadd.s32 $0x400, s15;
	s16 =	sadd.s32 s16, s12  }
.Ltmp6:
0x4a: {  	(pc) =	sbr.rel .LBB2_9-.Ltmp6, $2  }
0x4b: {  	_ =	sdelay $0x2  }
0x4c: {  	[hbm:s16] =	stream.linear.scatter [tilespmem:s13], [sflag:$0x3], $0x400, $0x38;
	[tilespmem:$0x4080] =	vst v63  }
.LBB2_2:
.Ltmp7:
0x4d: {  	(pc) =	sbr.rel .LBB2_10-.Ltmp7, $4  }
0x4e: {  	_ = 	snop  }
0x4f: {  	s12 =	sshrl.u32 s11, $0x3  }
0x50: {  	s13 =	sand.u32 $0x7, s11;
	s12 =	sadd.s32 s2, s12  }
0x51: {  	[tilespmem:s9], [sflag:$0x2] =	stream.linear.gather [hbm4b:s12+s13], $0x40, $0x38;
	[tilespmem:$0x4080] =	vst v63  }
.LBB2_11:
0x52: {  	s2 =	simm.s32 $0x3  }
0x53: {  	_ =	swait.ge [sflag:s2], $0x2000  }
0x54: {  	[sflag:s2] =	ssyncset.done $0x0  }
0x55: {  	[sflag:s2] =	ssyncadd.s32 $0xFFFFE000  }
0x56: {  	_ =	sfence.sel $0x180000  }
0x57: {  	s3 =	simm.s32 $0x2;
	[bflag:$0x0] =	sbarrier.arrive $0xFFFF  }
0x58: {  	[sflag:s3] =	ssyncpa.u1 $0x1  }
0x59: {  	s31 =	simm.s32 $0x1;
	[sflag:s2] =	ssyncpa.u1 $0x1  }
0x5a: {  	[sflag:s31] =	ssyncpa.u1 $0x1  }
0x5b: {  	p0 =	sne.s32 s1, $0x0;
	_ =	strace $0x90000059  }
0x5c: {  	s0 =	sadd.s32 @!p0 $0x100000, s0;
	[bflag:$0x2] =	sbarrier.arrive $0xFFFF  }
0x5d: {  	[sflag:s0] =	ssyncadd.tile.s32 @!p0 $0x1;
	_ =	shalt  }
.Lfunc_end2:
_tile_overlayer_lowered:
.L_overlay_start_2:
0x5e: {  	(tag) =	ssettag $0x2  }
0x5f: {  	s0 =	rddreg [dreg:$0x0];
	s2 =	stileid.u32  }
0x60: {  	s1 =	rddreg [dreg:$0x1];
	p0 =	sne.s32 s2, $0x0  }
0x61: {  	s3 =	rddreg [dreg:$0x2];
	[bflag:$0x3] =	sbarrier.arrive $0xFFFF;
	s2 =	simm.s32 @!p0 $0x1C01  }
0x62: {  	[timem:s3], [sflag:s2] =	dma.local @!p0 [hbm:s0], s1  }
0x63: {  	s0 =	simm.s32 @!p0 $0x1  }
0x64: {  	_ =	swait.ge @!p0 [sflag:s0], s1  }
0x65: {  	s1 =	ssub.s32 @!p0 $0x0, s1;
	[sflag:s0] =	ssyncset.done @!p0 $0x0  }
0x66: {  	[sflag:s0] =	ssyncadd.s32 @!p0 s1  }
0x67: {  	[bflag:$0x3] =	sbarrier.arrive $0xFFFF  }
0x68: {  	_ =	shalt  }

// kernel: gather_offload_async_start.6
scs
__scs_entry_jumppad:
0x0: {  	(pc) =	sbr.rel $0x88, $3  }
0x1: {  	(tag) =	ssettag $0x0;
	lr =	simm.s32 $0x1  }
0x2: {  	[smem:$0x3F9E] =	sst lr;
	_ =	strace $0xD0000000  }
0x3: {  	_ = 	snop  }
0x4: {  	_ = 	snop  }
0x5: {  	_ = 	snop  }
0x6: {  	_ = 	snop  }
0x7: {  	_ = 	snop  }
__scs_overlays_trampoline_lowered:
0x8: {  	[smem:$0x3FAD] =	sst s0  }
0x9: {  	[smem:$0x3FAE] =	sst s1  }
0xa: {  	[smem:$0x3FAF] =	sst s2  }
0xb: {  	[smem:$0x3FB0] =	sst s3  }
0xc: {  	[smem:$0x3FB1] =	sst s4  }
0xd: {  	[smem:$0x3FB2] =	sst s5  }
0xe: {  	[smem:$0x3FB3] =	sst s6  }
0xf: {  	[smem:$0x3FB4] =	sst s7  }
0x10: {  	[smem:$0x3FB5] =	sst s8  }
0x11: {  	[smem:$0x3FB6] =	sst s9;
	s0 =	simm.s32 @!p0 $0x0  }
0x12: {  	s1 =	sld [smem:$0x3F9C];
	s0 =	simm.s32 @p0 $0x1  }
0x13: {  	[smem:$0x3FB7] =	sst s0;
	s0 =	simm.s32 @!p1 $0x0  }
0x14: {  	s2 =	sld [smem:$0x3F9B];
	s0 =	simm.s32 @p1 $0x1  }
0x15: {  	[smem:$0x3FB8] =	sst s0;
	s0 =	simm.s32 @!p2 $0x0  }
0x16: {  	s3 =	sld [smem:$0x3FDB];
	s0 =	simm.s32 @p2 $0x1  }
0x17: {  	s4 =	simm.s32 $0x1BF5;
	[smem:$0x3FBA] =	sst s0  }
0x18: {  	s0 =	sld [smem:$0x3F9D];
	_ =	swait.ge [sflag:s4], $0x0  }
0x19: {  	s7 =	sld [smem:$0x3F9E]  }
0x1a: {  	s8 =	sadd.s32 $0xFFFFE003, lr  }
0x1b: {  	s9 =	sadd.s32 $0xFFFFFEF7, lr;
	s5 =	simm.s32 $0xFFFFFFFF;
	p2 =	slt.u32 s8, $0xFFFFF086  }
0x1c: {  	p1 =	slt.u32 s9, $0xF7A;
	s5 =	simm.s32 @!p2 $0x0  }
0x1d: {  	s5 =	simm.s32 @p1 $0x1;
	p0 =	seq.s32 s7, s2  }
0x1e: {  	s7 =	smul.u32 @!p0 $0xF7A, s2;
	p2 =	seq.s32 @!p0 s5, $0x0  }
0x1f: {  	s9 =	smul.u32 $0xF7A, s1;
	s8 =	simm.s32 @!p0 $0x1BF5;
	p2 =	por !p2, p0  }
0x20: {  	[sflag:s8] =	ssyncset.s32 @!p0 $0xFFFFF086;
	s6 =	sadd.s32 @!p0 s3, s7;
	s7 =	simm.s32 @!p0 $0x108  }
0x21: {  	s3 =	sadd.s32 s3, s9;
	s6 =	sadd.s32 @!p0 $0x88, s6;
	s7 =	simm.s32 @p2 $0x1082  }
0x22: {  	[simem:s7], [sflag:s8] =	dma.local @!p0 [hbm:s6], $0xF7A  }
0x23: {  	s9 =	sor.u32 $0xD0000000, s2;
	s6 =	simm.s32 $0x108;
	_ =	swait.ge @!p0 [sflag:s8], $0x0  }
0x24: {  	s3 =	sadd.s32 $0x88, s3;
	s6 =	simm.s32 @!p1 $0x1082;
	[sflag:s4] =	ssyncset.s32 $0xFFFFF086  }
0x25: {  	[simem:s6], [sflag:s4] =	dma.local [hbm:s3], $0xF7A  }
0x26: {  	[smem:$0x3F9E] =	sst s1;
	(tag) =	ssettag s2;
	_ =	strace s9  }
0x27: {  	s1 =	sld [smem:$0x3FAE]  }
0x28: {  	s2 =	sld [smem:$0x3FAF]  }
0x29: {  	s4 =	sld [smem:$0x3FB1]  }
0x2a: {  	p0 =	seq.s32 s5, $0x0;
	s5 =	sld [smem:$0x3FB2]  }
0x2b: {  	s6 =	sld [smem:$0x3FB3]  }
0x2c: {  	s7 =	sld [smem:$0x3FB4]  }
0x2d: {  	s3 =	simm.s32 $0x108;
	s8 =	sld [smem:$0x3FB5]  }
0x2e: {  	s3 =	simm.s32 @!p0 $0x1082;
	s9 =	sld [smem:$0x3FB6]  }
0x2f: {  	lr =	sadd.s32 s0, s3;
	s0 =	sld [smem:$0x3FAD]  }
0x30: {  	s3 =	sld [smem:$0x3FB0]  }
0x31: {  	[smem:$0x3FB9] =	sst s10  }
0x32: {  	s10 =	sld [smem:$0x3FB7];
	_ =	sdelay $0x3  }
0x33: {  	p0 =	seq.s32 s10, $0x1;
	s10 =	sld [smem:$0x3FB9];
	_ =	sdelay $0x3  }
0x34: {  	[smem:$0x3FB9] =	sst s10  }
0x35: {  	s10 =	sld [smem:$0x3FB8];
	_ =	sdelay $0x3  }
0x36: {  	p1 =	seq.s32 s10, $0x1;
	s10 =	sld [smem:$0x3FB9];
	_ =	sdelay $0x3  }
0x37: {  	[smem:$0x3FB9] =	sst s10  }
0x38: {  	s10 =	sld [smem:$0x3FBA]  }
0x39: {  	_ = 	snop;
	(pc) =	sbr.ind lr, $3  }
0x3a: {  	_ = 	snop  }
0x3b: {  	_ = 	snop  }
0x3c: {  	p2 =	seq.s32 s10, $0x1;
	s10 =	sld [smem:$0x3FB9]  }
0x3d: {  	_ =	shalt  }
0x3e: {  	_ =	shalt  }
0x3f: {  	_ =	shalt  }
0x40: {  	_ =	shalt  }
0x41: {  	_ =	shalt  }
0x42: {  	_ =	shalt  }
0x43: {  	_ =	shalt  }
0x44: {  	_ =	shalt  }
0x45: {  	_ =	shalt  }
0x46: {  	_ =	shalt  }
0x47: {  	_ =	shalt  }
0x48: {  	_ =	shalt  }
0x49: {  	_ =	shalt  }
0x4a: {  	_ =	shalt  }
0x4b: {  	_ =	shalt  }
0x4c: {  	_ =	shalt  }
0x4d: {  	_ =	shalt  }
0x4e: {  	_ =	shalt  }
0x4f: {  	_ =	shalt  }
0x50: {  	_ =	shalt  }
0x51: {  	_ =	shalt  }
0x52: {  	_ =	shalt  }
0x53: {  	_ =	shalt  }
0x54: {  	_ =	shalt  }
0x55: {  	_ =	shalt  }
0x56: {  	_ =	shalt  }
0x57: {  	_ =	shalt  }
0x58: {  	_ =	shalt  }
0x59: {  	_ =	shalt  }
0x5a: {  	_ =	shalt  }
0x5b: {  	_ =	shalt  }
0x5c: {  	_ =	shalt  }
0x5d: {  	_ =	shalt  }
0x5e: {  	_ =	shalt  }
0x5f: {  	_ =	shalt  }
0x60: {  	_ =	shalt  }
0x61: {  	_ =	shalt  }
0x62: {  	_ =	shalt  }
0x63: {  	_ =	shalt  }
0x64: {  	_ =	shalt  }
0x65: {  	_ =	shalt  }
0x66: {  	_ =	shalt  }
0x67: {  	_ =	shalt  }
0x68: {  	_ =	shalt  }
0x69: {  	_ =	shalt  }
0x6a: {  	_ =	shalt  }
0x6b: {  	_ =	shalt  }
0x6c: {  	_ =	shalt  }
0x6d: {  	_ =	shalt  }
0x6e: {  	_ =	shalt  }
0x6f: {  	_ =	shalt  }
0x70: {  	_ =	shalt  }
0x71: {  	_ =	shalt  }
0x72: {  	_ =	shalt  }
0x73: {  	_ =	shalt  }
0x74: {  	_ =	shalt  }
0x75: {  	_ =	shalt  }
0x76: {  	_ =	shalt  }
0x77: {  	_ =	shalt  }
0x78: {  	_ =	shalt  }
0x79: {  	_ =	shalt  }
0x7a: {  	_ =	shalt  }
0x7b: {  	_ =	shalt  }
0x7c: {  	_ =	shalt  }
0x7d: {  	_ =	shalt  }
0x7e: {  	_ =	shalt  }
0x7f: {  	_ =	shalt  }
0x80: {  	_ =	shalt  }
0x81: {  	_ =	shalt  }
0x82: {  	_ =	shalt  }
0x83: {  	_ =	shalt  }
0x84: {  	_ =	shalt  }
0x85: {  	_ =	shalt  }
0x86: {  	_ =	shalt  }
0x87: {  	_ =	shalt  }
.Lfunc_end0:
.L_simem_size_0:
called_computation.6_lowered:
.L_overlay_start_0:
0x88: {  	s2 =	sld [smem:$0x3FD9]  }
0x89: {  	s3 =	sld [smem:$0x3FFE];
	_ =	sdelay $0x1  }
0x8a: {  	s1 =	srdreg.scid  }
0x8b: {  	s0 =	sand.u32 $0x1, s1  }
0x8c: {  	s15 =	sshll.u32 s0, $0xA;
	s2 =	sadd.s32 s3, s2  }
0x8d: {  	s2 =	sadd.s32 s2, s15  }
0x8e: {  	[smem:$0x3FC5] =	sst s2  }
0x8f: {  	_ = 	snop  }
0x90: {  	s2 =	sld [smem:$0x3FD0];
	_ =	sdelay $0x2  }
0x91: {  	s4 =	simm.s32 $0xA;
	s5 =	simm.s32 $0x10;
	s16 =	sld [smem:$0x3FC9]  }
0x92: {  	[smem:s5], [sflag:s4] =	dma.local [hbm:s2], $0x1  }
0x93: {  	_ =	swait.eq [sflag:s4], $0x1  }
0x94: {  	[sflag:s4] =	ssyncset.done $0x0  }
0x95: {  	s17 =	sld [smem:$0x10];
	[sflag:s4] =	ssyncadd.s32 $0xFFFFFFFF  }
0x96: {  	s18 =	sld [smem:$0x11];
	(tm) =	ssettm $0x1  }
0x97: {  	s19 =	sld [smem:$0x3FFB];
	_ =	sdelay $0x3  }
0x98: {  	_ =	strace s19  }
0x99: {  	s5 =	sld [smem:$0x3FFC];
	_ =	sdelay $0x3  }
0x9a: {  	_ =	strace s5  }
0x9b: {  	s5 =	sld [smem:$0x3FFD];
	_ =	sdelay $0x3  }
0x9c: {  	_ =	strace s5  }
0x9d: {  	_ =	strace $0x8FFFFFFF  }
0x9e: {  	s20 =	sld [smem:$0x3FDB];
	_ =	sdelay $0x1  }
0x9f: {  	s6 =	simm.s32 $_scs_section_size  }
0xa0: {  	s7 =	simm.s32 $_size__tile_overlayer_lowered;
	s8 =	simm.s32 $_tile_overlayer_lowered  }
0xa1: {  	s23 =	simm.s32 $0x1BFF;
	s22 =	sshll.u32 s8, $0x1;
	s5 =	sadd.s32 s6, s20  }
0xa2: {  	s9 =	simm.s32 $0x0;
	s21 =	sshll.u32 s7, $0x1;
	s7 =	sadd.s32 s22, s5  }
0xa3: {  	[timem:s9], [sflag:s23] =	dma.local [hbm:s7], s21  }
0xa4: {  	_ =	swait.ge [sflag:s23], s21  }
0xa5: {  	s6 =	ssub.s32 $0x0, s21;
	[sflag:s23] =	ssyncset.done $0x0  }
0xa6: {  	[sflag:s23] =	ssyncadd.s32 s6;
	_ =	sdelay $0x1  }
0xa7: {  	s24 =	simm.s32 $0x1B8B  }
0xa8: {  	_ =	swait.ge [sflag:s24], $0x1  }
0xa9: {  	[sflag:s24] =	ssyncset.done $0x0  }
0xaa: {  	s25 =	simm.s32 $0x1B8E;
	[sflag:s24] =	ssyncadd.s32 $0xFFFFFFFF  }
0xab: {  	s26 =	simm.s32 $execute0_lowered;
	[smem:$0x3FD2] =	sst s25  }
0xac: {  	s6 =	sshll.u32 s26, $0x1;
	_ =	strace $0x80000055;
	[dreg:$0x1] =	wrdreg $0xFFFFFFFF  }
0xad: {  	s28 =	simm.s32 $_size_execute0_lowered;
	s5 =	sadd.s32 s5, s6;
	[dreg:$0x0] =	wrdreg $0x0  }
0xae: {  	s6 =	sshll.u32 s28, $0x1;
	[dreg:$0x2] =	wrdreg s5  }
0xaf: {  	[dreg:$0x3] =	wrdreg s6  }
0xb0: {  	[dreg:$0x4] =	wrdreg $0xC0  }
0xb1: {  	_ =	task [dreg:s9], $0x5FFFF  }
0xb2: {  	[dreg:$0x1] =	wrdreg $0xFFFFFFFF  }
0xb3: {  	[dreg:$0x0] =	wrdreg $0x60  }
0xb4: {  	[dreg:$0x2] =	wrdreg s16  }
0xb5: {  	[dreg:$0x3] =	wrdreg s17  }
0xb6: {  	[dreg:$0x4] =	wrdreg s18  }
0xb7: {  	[dreg:$0x5] =	wrdreg $0x9  }
0xb8: {  	_ =	task.clear_ibuf [dreg:s9], $0x6FFFF;
	_ =	strace $0x90000055  }
0xb9: {  	s29 =	simm.s32 $0x9;
	_ =	strace $0x80000057  }
0xba: {  	_ =	swait.ge [sflag:s29], $0x1  }
0xbb: {  	[sflag:s29] =	ssyncadd.s32 $0xFFFFFFFF  }
0xbc: {  	_ =	strace $0x90000057  }
0xbd: {  	_ =	sfence  }
0xbe: {  	s30 =	sld [smem:$0x0];
	_ =	sdelay $0x2  }
0xbf: {  	s31 =	sshll.u32 s1, $0xD;
	s1 =	sshrl.u32 s1, $0x2  }
0xc0: {  	s3 =	sand.u32 $0x4000, s31;
	s1 =	sadd.s32 s1, s30  }
0xc1: {  	s0 =	sor.u32 s3, s0;
	s1 =	sshll.u32 s1, $0x11  }
0xc2: {  	s0 =	sor.u32 s1, s0  }
0xc3: {  	s0 =	sadd.s32 $0x8F2B, s0  }
0xc4: {  	[sflag:s0] =	ssyncadd.remote.s32 $0x1  }
0xc5: {  	_ =	sfence.sel $0xFFFF  }
0xc6: {  	[dreg:$0x0] =	wrdreg $0xFFFFFFFF;
	(pc) =	sbr.abs _section_cstart, $3  }
0xc7: {  	[dreg:$0x1] =	wrdreg $0xFFFFFFFF  }
0xc8: {  	_ =	task.clear_ibuf [dreg:s9], $0x2FFFF;
	_ =	strace $0x9FFFFFFF  }
0xc9: {  	(tm) =	ssettm $0x7FFFFFFF  }
tec
execute0_lowered:
.L_overlay_start_1:
0x0: {  	(tag) =	ssettag $0x1  }
0x1: {  	s2 =	rddreg [dreg:$0x0]  }
0x2: {  	s1 =	srdreg.scid;
	s3 =	rddreg [dreg:$0x1]  }
0x3: {  	s0 =	stileid.u32;
	s4 =	rddreg [dreg:$0x2];
	s1 =	sshll.u32 s1, $0x5  }
0x4: {  	s6 =	simm.s32 $0x1;
	s5 =	sshll.u32 s0, $0x6;
	s1 =	sand.u32 $0x20, s1  }
0x5: {  	s9 =	simm.s32 $0x1;
	s10 =	simm.s32 $0x3;
	s5 =	sor.u32 s5, s1  }
0x6: {  	s13 =	simm.s32 $0x0;
	s1 =	rddreg [dreg:$0x3];
	s8 =	ssub.s32 $0x800, s5  }
.Ltmp0:
0x7: {  	_ =	strace $0x80000056;
	s7 =	sand.u32 $0x3E0, s8;
	(pc) =	sbr.rel .LBB2_1-.Ltmp0, $4  }
0x8: {  	s12 =	simm.s32 $0x0;
	[sflag:s6] =	ssyncpa.u1 $0x0;
	p0 =	sne.s32 s7, $0x0  }
0x9: {  	s8 =	sshrl.u32 s8, $0xA;
	s7 =	simm.s32 $0x2;
	s9 =	simm.s32 @!p0 $0x0  }
0xa: {  	s11 =	smov.u32 s5;
	[sflag:s7] =	ssyncpa.u1 $0x0;
	s8 =	sadd.s32 s9, s8  }
0xb: {  	vm0 =	vmmov $0xffff;
	[sflag:s10] =	ssyncpa.u1 $0x0;
	s10 =	simm.s32 $0x0;
	s9 =	sadd.s32 $0x1, s8  }
.LBB2_5:
0xc: {  	s15 =	sadd.s32 $0x400, s11  }
0xd: {  	p1 =	sgt.s32 s15, $0x7FF  }
0xe: {  	s15 =	smov.u32 @p1 s5;
	p1 =	sne.s32 s12, s9  }
.Ltmp1:
0xf: {  	p0 =	slt.u32 s12, $0x2;
	(pc) =	sbr.rel @!p1 .LBB2_6-.Ltmp1, $4  }
0x10: {  	s14 =	simm.s32 @!p0 $0x3  }
0x11: {  	_ =	swait.ge @!p0 [sflag:s14], $0x20  }
0x12: {  	s16 =	sadd.s32 $0x1, s12;
	s13 =	smov.u32 s11;
	[sflag:s14] =	ssyncset.done @!p0 $0x0  }
0x13: {  	s12 =	smov.u32 s16;
	s11 =	smov.u32 s15;
	[sflag:s14] =	ssyncadd.s32 @!p0 $0xFFFFFFE0  }
.LBB2_1:
0x14: {  	p0 =	sge.u32 s12, s8  }
0x15: {  	s14 =	sxor.u32 @!p0 $0xFFFFFFFF, s12  }
0x16: {  	s31 =	sadd.s32 $0xFFFFFFFF, s12;
	s15 =	sshrl.u32 @!p0 s11, $0x3;
	s14 =	sshll.u32 @!p0 s14, $0x5  }
0x17: {  	s16 =	sand.u32 @!p0 $0x7, s11;
	s15 =	sadd.s32 @!p0 s3, s15;
	s14 =	sand.u32 @!p0 $0x20, s14  }
0x18: {  	[tilespmem:s14], [sflag:$0x2] =	stream.linear.gather @!p0 [hbm4b:s15+s16], $0x20, $0x38;
	[tilespmem:$0x80] =	vst v63  }
0x19: {  	p0 =	sge.u32 s31, s8  }
.Ltmp2:
0x1a: {  	_ = 	snop;
	(pc) =	sbr.rel @p0 .LBB2_5-.Ltmp2, $1  }
0x1b: {  	_ =	sdelay $0x3  }
0x1c: {  	_ =	swait.ge [sflag:s7], $0x20;
	s14 =	sshll.u32 s12, $0x5;
	s16 =	simm.s32 $0x0  }
0x1d: {  	p0 =	por $0x1, $0x1;
	[sflag:s7] =	ssyncset.done $0x0;
	s15 =	sand.u32 $0x20, s14  }
0x1e: {  	[sflag:s7] =	ssyncadd.s32 $0xFFFFFFE0;
	(ifvalue) =	ssetifvalue $0x7FFFFFFF;
	s14 =	sor.u32 $0x40, s15  }
.LBB2_3:
0x1f: {  	s17 =	sadd.s32 s16, s15  }
0x20: {  	v0 =	vld.msk [tilespmem:s17+$0x0 ss:$0x1], $0xffff;
	_ =	sdelay $0x4  }
0x21: {  	v1 =	vshrl.u32 v0, $0x2  }
0x22: {  	vm1 =	veq.s32 v0, $0x80000000;
	v1 =	vand.u32 $0x3FFF, v1  }
0x23: {  	v0 =	vand.u32 $0x3, v0;
	v1 =	vsel vm1, $0xFFFFFFFF, v1  }
0x24: {  	v0 =	vsel vm1, $0xFFFFFFFF, v0;
	v2 =	vshll.u32 v1, $0x2  }
0x25: {  	v3 =	vand.u32 $0xFFFF0000, v0;
	v0 =	vshll.u32 v0, $0x7;
	v2 =	vand.u32 $0xFFFFFE00, v2  }
0x26: {  	v0 =	vand.u32 $0x180, v0;
	v2 =	vadd.s32 v3, v2  }
0x27: {  	v1 =	vand.u32 $0x7F, v1;
	v0 =	vor.u32 v0, v2  }
0x28: {  	p1 =	por p0, p0;
	v0 =	vor.u32 v1, v0  }
.Ltmp3:
0x29: {  	_ = 	snop;
	(pc) =	sbr.rel @p1 .LBB2_3-.Ltmp3, $4  }
0x2a: {  	_ = 	snop  }
0x2b: {  	s31 =	sadd.s32 s16, s14  }
0x2c: {  	s16 =	simm.s32 $0x10;
	p0 =	por $0x0, $0x0;
	(ifvalue) =	ssetifvalue $0x7FFFFFFF  }
0x2d: {  	[tilespmem:s31], [sflag:$0x1] =	stream.indirect_vreg.gather [hbm4b:s2+s10], $0x1, v0, vm0, $0x4038;
	[tilespmem:$0x80] =	vst v63  }
.Ltmp4:
0x2e: {  	(pc) =	sbr.rel .LBB2_5-.Ltmp4, $4  }
0x2f: {  	_ =	swait.ge [sflag:s6], $0x20  }
0x30: {  	s15 =	sshrl.u32 s13, $0x3;
	[sflag:s6] =	ssyncset.done $0x0  }
0x31: {  	s31 =	sand.u32 $0x7, s13;
	s15 =	sadd.s32 s4, s15;
	[sflag:s6] =	ssyncadd.s32 $0xFFFFFFE0  }
0x32: {  	[hbm4b:s15+s31] =	stream.linear.scatter [tilespmem:s14], [sflag:$0x3], $0x20, $0x38;
	[tilespmem:$0x80] =	vst v63  }
.LBB2_6:
0x33: {  	_ =	sfence.sel $0x180000  }
0x34: {  	s2 =	simm.s32 $0x2;
	[bflag:$0x0] =	sbarrier.arrive $0xFFFF  }
0x35: {  	s30 =	simm.s32 $0x3;
	[sflag:s2] =	ssyncpa.u1 $0x1  }
0x36: {  	s31 =	simm.s32 $0x1;
	[sflag:s30] =	ssyncpa.u1 $0x1  }
0x37: {  	[sflag:s31] =	ssyncpa.u1 $0x1  }
0x38: {  	p0 =	sne.s32 s0, $0x0;
	_ =	strace $0x90000056  }
0x39: {  	s0 =	sadd.s32 @!p0 $0x100000, s1;
	[bflag:$0x2] =	sbarrier.arrive $0xFFFF  }
0x3a: {  	[sflag:s0] =	ssyncadd.tile.s32 @!p0 $0x1;
	_ =	shalt  }
.Lfunc_end2:
_tile_overlayer_lowered:
.L_overlay_start_2:
0x3b: {  	(tag) =	ssettag $0x2  }
0x3c: {  	s0 =	rddreg [dreg:$0x0];
	s2 =	stileid.u32  }
0x3d: {  	s1 =	rddreg [dreg:$0x1];
	p0 =	sne.s32 s2, $0x0  }
0x3e: {  	s3 =	rddreg [dreg:$0x2];
	[bflag:$0x3] =	sbarrier.arrive $0xFFFF;
	s2 =	simm.s32 @!p0 $0x1C01  }
0x3f: {  	[timem:s3], [sflag:s2] =	dma.local @!p0 [hbm:s0], s1  }
0x40: {  	s0 =	simm.s32 @!p0 $0x1  }
0x41: {  	_ =	swait.ge @!p0 [sflag:s0], s1  }
0x42: {  	s1 =	ssub.s32 @!p0 $0x0, s1;
	[sflag:s0] =	ssyncset.done @!p0 $0x0  }
0x43: {  	[sflag:s0] =	ssyncadd.s32 @!p0 s1  }
0x44: {  	[bflag:$0x3] =	sbarrier.arrive $0xFFFF  }
0x45: {  	_ =	shalt  }

// kernel: gather_offload_async_start
scs
__scs_entry_jumppad:
0x0: {  	(pc) =	sbr.rel $0x88, $3  }
0x1: {  	(tag) =	ssettag $0x0;
	lr =	simm.s32 $0x1  }
0x2: {  	[smem:$0x3F9E] =	sst lr;
	_ =	strace $0xD0000000  }
0x3: {  	_ = 	snop  }
0x4: {  	_ = 	snop  }
0x5: {  	_ = 	snop  }
0x6: {  	_ = 	snop  }
0x7: {  	_ = 	snop  }
__scs_overlays_trampoline_lowered:
0x8: {  	[smem:$0x3FAD] =	sst s0  }
0x9: {  	[smem:$0x3FAE] =	sst s1  }
0xa: {  	[smem:$0x3FAF] =	sst s2  }
0xb: {  	[smem:$0x3FB0] =	sst s3  }
0xc: {  	[smem:$0x3FB1] =	sst s4  }
0xd: {  	[smem:$0x3FB2] =	sst s5  }
0xe: {  	[smem:$0x3FB3] =	sst s6  }
0xf: {  	[smem:$0x3FB4] =	sst s7  }
0x10: {  	[smem:$0x3FB5] =	sst s8  }
0x11: {  	[smem:$0x3FB6] =	sst s9;
	s0 =	simm.s32 @!p0 $0x0  }
0x12: {  	s1 =	sld [smem:$0x3F9C];
	s0 =	simm.s32 @p0 $0x1  }
0x13: {  	[smem:$0x3FB7] =	sst s0;
	s0 =	simm.s32 @!p1 $0x0  }
0x14: {  	s2 =	sld [smem:$0x3F9B];
	s0 =	simm.s32 @p1 $0x1  }
0x15: {  	[smem:$0x3FB8] =	sst s0;
	s0 =	simm.s32 @!p2 $0x0  }
0x16: {  	s3 =	sld [smem:$0x3FDB];
	s0 =	simm.s32 @p2 $0x1  }
0x17: {  	s4 =	simm.s32 $0x1BF5;
	[smem:$0x3FBA] =	sst s0  }
0x18: {  	s0 =	sld [smem:$0x3F9D];
	_ =	swait.ge [sflag:s4], $0x0  }
0x19: {  	s7 =	sld [smem:$0x3F9E]  }
0x1a: {  	s8 =	sadd.s32 $0xFFFFE003, lr  }
0x1b: {  	s9 =	sadd.s32 $0xFFFFFEF7, lr;
	s5 =	simm.s32 $0xFFFFFFFF;
	p2 =	slt.u32 s8, $0xFFFFF086  }
0x1c: {  	p1 =	slt.u32 s9, $0xF7A;
	s5 =	simm.s32 @!p2 $0x0  }
0x1d: {  	s5 =	simm.s32 @p1 $0x1;
	p0 =	seq.s32 s7, s2  }
0x1e: {  	s7 =	smul.u32 @!p0 $0xF7A, s2;
	p2 =	seq.s32 @!p0 s5, $0x0  }
0x1f: {  	s9 =	smul.u32 $0xF7A, s1;
	s8 =	simm.s32 @!p0 $0x1BF5;
	p2 =	por !p2, p0  }
0x20: {  	[sflag:s8] =	ssyncset.s32 @!p0 $0xFFFFF086;
	s6 =	sadd.s32 @!p0 s3, s7;
	s7 =	simm.s32 @!p0 $0x108  }
0x21: {  	s3 =	sadd.s32 s3, s9;
	s6 =	sadd.s32 @!p0 $0x88, s6;
	s7 =	simm.s32 @p2 $0x1082  }
0x22: {  	[simem:s7], [sflag:s8] =	dma.local @!p0 [hbm:s6], $0xF7A  }
0x23: {  	s9 =	sor.u32 $0xD0000000, s2;
	s6 =	simm.s32 $0x108;
	_ =	swait.ge @!p0 [sflag:s8], $0x0  }
0x24: {  	s3 =	sadd.s32 $0x88, s3;
	s6 =	simm.s32 @!p1 $0x1082;
	[sflag:s4] =	ssyncset.s32 $0xFFFFF086  }
0x25: {  	[simem:s6], [sflag:s4] =	dma.local [hbm:s3], $0xF7A  }
0x26: {  	[smem:$0x3F9E] =	sst s1;
	(tag) =	ssettag s2;
	_ =	strace s9  }
0x27: {  	s1 =	sld [smem:$0x3FAE]  }
0x28: {  	s2 =	sld [smem:$0x3FAF]  }
0x29: {  	s4 =	sld [smem:$0x3FB1]  }
0x2a: {  	p0 =	seq.s32 s5, $0x0;
	s5 =	sld [smem:$0x3FB2]  }
0x2b: {  	s6 =	sld [smem:$0x3FB3]  }
0x2c: {  	s7 =	sld [smem:$0x3FB4]  }
0x2d: {  	s3 =	simm.s32 $0x108;
	s8 =	sld [smem:$0x3FB5]  }
0x2e: {  	s3 =	simm.s32 @!p0 $0x1082;
	s9 =	sld [smem:$0x3FB6]  }
0x2f: {  	lr =	sadd.s32 s0, s3;
	s0 =	sld [smem:$0x3FAD]  }
0x30: {  	s3 =	sld [smem:$0x3FB0]  }
0x31: {  	[smem:$0x3FB9] =	sst s10  }
0x32: {  	s10 =	sld [smem:$0x3FB7];
	_ =	sdelay $0x3  }
0x33: {  	p0 =	seq.s32 s10, $0x1;
	s10 =	sld [smem:$0x3FB9];
	_ =	sdelay $0x3  }
0x34: {  	[smem:$0x3FB9] =	sst s10  }
0x35: {  	s10 =	sld [smem:$0x3FB8];
	_ =	sdelay $0x3  }
0x36: {  	p1 =	seq.s32 s10, $0x1;
	s10 =	sld [smem:$0x3FB9];
	_ =	sdelay $0x3  }
0x37: {  	[smem:$0x3FB9] =	sst s10  }
0x38: {  	s10 =	sld [smem:$0x3FBA]  }
0x39: {  	_ = 	snop;
	(pc) =	sbr.ind lr, $3  }
0x3a: {  	_ = 	snop  }
0x3b: {  	_ = 	snop  }
0x3c: {  	p2 =	seq.s32 s10, $0x1;
	s10 =	sld [smem:$0x3FB9]  }
0x3d: {  	_ =	shalt  }
0x3e: {  	_ =	shalt  }
0x3f: {  	_ =	shalt  }
0x40: {  	_ =	shalt  }
0x41: {  	_ =	shalt  }
0x42: {  	_ =	shalt  }
0x43: {  	_ =	shalt  }
0x44: {  	_ =	shalt  }
0x45: {  	_ =	shalt  }
0x46: {  	_ =	shalt  }
0x47: {  	_ =	shalt  }
0x48: {  	_ =	shalt  }
0x49: {  	_ =	shalt  }
0x4a: {  	_ =	shalt  }
0x4b: {  	_ =	shalt  }
0x4c: {  	_ =	shalt  }
0x4d: {  	_ =	shalt  }
0x4e: {  	_ =	shalt  }
0x4f: {  	_ =	shalt  }
0x50: {  	_ =	shalt  }
0x51: {  	_ =	shalt  }
0x52: {  	_ =	shalt  }
0x53: {  	_ =	shalt  }
0x54: {  	_ =	shalt  }
0x55: {  	_ =	shalt  }
0x56: {  	_ =	shalt  }
0x57: {  	_ =	shalt  }
0x58: {  	_ =	shalt  }
0x59: {  	_ =	shalt  }
0x5a: {  	_ =	shalt  }
0x5b: {  	_ =	shalt  }
0x5c: {  	_ =	shalt  }
0x5d: {  	_ =	shalt  }
0x5e: {  	_ =	shalt  }
0x5f: {  	_ =	shalt  }
0x60: {  	_ =	shalt  }
0x61: {  	_ =	shalt  }
0x62: {  	_ =	shalt  }
0x63: {  	_ =	shalt  }
0x64: {  	_ =	shalt  }
0x65: {  	_ =	shalt  }
0x66: {  	_ =	shalt  }
0x67: {  	_ =	shalt  }
0x68: {  	_ =	shalt  }
0x69: {  	_ =	shalt  }
0x6a: {  	_ =	shalt  }
0x6b: {  	_ =	shalt  }
0x6c: {  	_ =	shalt  }
0x6d: {  	_ =	shalt  }
0x6e: {  	_ =	shalt  }
0x6f: {  	_ =	shalt  }
0x70: {  	_ =	shalt  }
0x71: {  	_ =	shalt  }
0x72: {  	_ =	shalt  }
0x73: {  	_ =	shalt  }
0x74: {  	_ =	shalt  }
0x75: {  	_ =	shalt  }
0x76: {  	_ =	shalt  }
0x77: {  	_ =	shalt  }
0x78: {  	_ =	shalt  }
0x79: {  	_ =	shalt  }
0x7a: {  	_ =	shalt  }
0x7b: {  	_ =	shalt  }
0x7c: {  	_ =	shalt  }
0x7d: {  	_ =	shalt  }
0x7e: {  	_ =	shalt  }
0x7f: {  	_ =	shalt  }
0x80: {  	_ =	shalt  }
0x81: {  	_ =	shalt  }
0x82: {  	_ =	shalt  }
0x83: {  	_ =	shalt  }
0x84: {  	_ =	shalt  }
0x85: {  	_ =	shalt  }
0x86: {  	_ =	shalt  }
0x87: {  	_ =	shalt  }
.Lfunc_end0:
.L_simem_size_0:
called_computation_lowered:
.L_overlay_start_0:
0x88: {  	s2 =	sld [smem:$0x3FD9]  }
0x89: {  	s3 =	sld [smem:$0x3FFE];
	_ =	sdelay $0x1  }
0x8a: {  	s1 =	srdreg.scid  }
0x8b: {  	s0 =	sand.u32 $0x1, s1  }
0x8c: {  	s16 =	sshll.u32 s0, $0xA;
	s2 =	sadd.s32 s3, s2  }
0x8d: {  	s2 =	sadd.s32 s2, s16  }
0x8e: {  	[smem:$0x3FC5] =	sst s2  }
0x8f: {  	_ = 	snop  }
0x90: {  	(tm) =	ssettm $0x1  }
0x91: {  	s17 =	sld [smem:$0x3FFB];
	_ =	sdelay $0x3  }
0x92: {  	_ =	strace s17  }
0x93: {  	s2 =	sld [smem:$0x3FFC];
	_ =	sdelay $0x3  }
0x94: {  	_ =	strace s2  }
0x95: {  	s2 =	sld [smem:$0x3FFD];
	_ =	sdelay $0x3  }
0x96: {  	_ =	strace s2  }
0x97: {  	_ =	strace $0x8FFFFFFF  }
0x98: {  	s18 =	sld [smem:$0x3FDB];
	_ =	sdelay $0x1  }
0x99: {  	s19 =	simm.s32 $_scs_section_size  }
0x9a: {  	s4 =	simm.s32 $_size__tile_overlayer_lowered;
	s5 =	simm.s32 $_tile_overlayer_lowered  }
0x9b: {  	s22 =	simm.s32 $0x1BFF;
	s21 =	sshll.u32 s5, $0x1;
	s2 =	sadd.s32 s19, s18  }
0x9c: {  	s6 =	simm.s32 $0x0;
	s20 =	sshll.u32 s4, $0x1;
	s4 =	sadd.s32 s21, s2  }
0x9d: {  	[timem:s6], [sflag:s22] =	dma.local [hbm:s4], s20  }
0x9e: {  	_ =	swait.ge [sflag:s22], s20  }
0x9f: {  	s3 =	ssub.s32 $0x0, s20;
	[sflag:s22] =	ssyncset.done $0x0  }
0xa0: {  	[sflag:s22] =	ssyncadd.s32 s3;
	_ =	sdelay $0x1  }
0xa1: {  	s23 =	simm.s32 $0x1B8B  }
0xa2: {  	_ =	swait.ge [sflag:s23], $0x1  }
0xa3: {  	[sflag:s23] =	ssyncset.done $0x0  }
0xa4: {  	s25 =	simm.s32 $0x1B8E;
	s24 =	sld [smem:$0x3FFE];
	[sflag:s23] =	ssyncadd.s32 $0xFFFFFFFF  }
0xa5: {  	s26 =	simm.s32 $execute0_lowered;
	[smem:$0x3FD2] =	sst s25  }
0xa6: {  	s4 =	sshll.u32 s26, $0x1;
	_ =	strace $0x80000046;
	[dreg:$0x1] =	wrdreg $0xFFFFFFFF  }
0xa7: {  	s28 =	simm.s32 $_size_execute0_lowered;
	s2 =	sadd.s32 s2, s4;
	[dreg:$0x0] =	wrdreg $0x0  }
0xa8: {  	s4 =	sshll.u32 s28, $0x1;
	[dreg:$0x2] =	wrdreg s2  }
0xa9: {  	[dreg:$0x3] =	wrdreg s4  }
0xaa: {  	[dreg:$0x4] =	wrdreg $0xC0  }
0xab: {  	_ =	task [dreg:s6], $0x5FFFF  }
0xac: {  	[dreg:$0x1] =	wrdreg $0xFFFFFFFF  }
0xad: {  	[dreg:$0x0] =	wrdreg $0x60  }
0xae: {  	[dreg:$0x2] =	wrdreg s24  }
0xaf: {  	[dreg:$0x3] =	wrdreg $0x9  }
0xb0: {  	_ =	task.clear_ibuf [dreg:s6], $0x4FFFF;
	_ =	strace $0x90000046  }
0xb1: {  	s29 =	simm.s32 $0x9;
	_ =	strace $0x80000048  }
0xb2: {  	_ =	swait.ge [sflag:s29], $0x1  }
0xb3: {  	[sflag:s29] =	ssyncadd.s32 $0xFFFFFFFF  }
0xb4: {  	_ =	strace $0x90000048  }
0xb5: {  	_ =	sfence  }
0xb6: {  	s30 =	sld [smem:$0x0];
	_ =	sdelay $0x2  }
0xb7: {  	s31 =	sshll.u32 s1, $0xD;
	s1 =	sshrl.u32 s1, $0x2  }
0xb8: {  	s3 =	sand.u32 $0x4000, s31;
	s1 =	sadd.s32 s1, s30  }
0xb9: {  	s0 =	sor.u32 s3, s0;
	s1 =	sshll.u32 s1, $0x11  }
0xba: {  	s0 =	sor.u32 s1, s0  }
0xbb: {  	s0 =	sadd.s32 $0x8F2B, s0  }
0xbc: {  	[sflag:s0] =	ssyncadd.remote.s32 $0x1  }
0xbd: {  	_ =	sfence.sel $0xFFFF  }
0xbe: {  	[dreg:$0x0] =	wrdreg $0xFFFFFFFF;
	(pc) =	sbr.abs _section_cstart, $3  }
0xbf: {  	[dreg:$0x1] =	wrdreg $0xFFFFFFFF  }
0xc0: {  	_ =	task.clear_ibuf [dreg:s6], $0x2FFFF;
	_ =	strace $0x9FFFFFFF  }
0xc1: {  	(tm) =	ssettm $0x7FFFFFFF  }
tec
execute0_lowered:
.L_overlay_start_1:
0x0: {  	(tag) =	ssettag $0x1  }
0x1: {  	s0 =	srdreg.scid;
	s5 =	rddreg [dreg:$0x0]  }
0x2: {  	s1 =	stileid.u32;
	s6 =	simm.s32 $0x1;
	s9 =	simm.s32 $0x1  }
0x3: {  	s10 =	simm.s32 $0x3;
	s13 =	simm.s32 $0x0;
	s2 =	sshll.u32 s0, $0xA  }
0x4: {  	s12 =	simm.s32 $0x0;
	s3 =	sshll.u32 s1, $0xB;
	s2 =	sand.u32 $0x400, s2  }
0x5: {  	s0 =	rddreg [dreg:$0x1];
	_ =	strace $0x80000047;
	s2 =	sor.u32 s3, s2  }
0x6: {  	s4 =	sadd.s32 $0x6400, s5;
	[sflag:s6] =	ssyncpa.u1 $0x0;
	s8 =	ssub.s32 $0x10000, s2  }
.Ltmp0:
0x7: {  	s3 =	sadd.s32 $0x2400, s5;
	s7 =	sand.u32 $0x7C00, s8;
	(pc) =	sbr.rel .LBB2_1-.Ltmp0, $4  }
0x8: {  	s5 =	sadd.s32 $0x8400, s5;
	s11 =	smov.u32 s2;
	p0 =	sne.s32 s7, $0x0  }
0x9: {  	s8 =	sshrl.u32 s8, $0xF;
	s7 =	simm.s32 $0x2;
	s9 =	simm.s32 @!p0 $0x0  }
0xa: {  	[sflag:s7] =	ssyncpa.u1 $0x0;
	p0 =	por $0x0, $0x0;
	s8 =	sadd.s32 s9, s8  }
0xb: {  	vm0 =	vmmov $0xffff;
	[sflag:s10] =	ssyncpa.u1 $0x0;
	s10 =	simm.s32 $0x0;
	s9 =	sadd.s32 $0x1, s8  }
.LBB2_4:
0xc: {  	v5 =	vld.msk [tilespmem:s18+$0x0 ss:$0x1], $0xffff  }
0xd: {  	v6 =	vand.u32 $0x3, v1;
	v7 =	vshrl.u32 v1, $0x2  }
0xe: {  	v3 =	vor.u32 v4, v3;
	vm1 =	veq.s32 v1, $0x80000000;
	v53 =	vand.u32 $0x3FFF, v7  }
0xf: {  	v2 =	vor.u32 v2, v3;
	v54 =	vsel vm1, $0xFFFFFFFF, v6;
	v1 =	vsel vm1, $0xFFFFFFFF, v53  }
0x10: {  	v6 =	vshll.u32 v54, $0x7;
	v3 =	vand.u32 $0xFFFF0000, v54;
	v55 =	vand.u32 $0x7F, v1  }
0x11: {  	v1 =	vshll.u32 v1, $0x2;
	v6 =	vand.u32 $0x180, v6;
	v56 =	vshrl.u32 v5, $0x2  }
0x12: {  	v1 =	vand.u32 $0xFFFFFE00, v1;
	vm1 =	veq.s32 v5, $0x80000000;
	v57 =	vand.u32 $0x3FFF, v56  }
0x13: {  	v1 =	vadd.s32 v3, v1;
	v5 =	vand.u32 $0x3, v5;
	v3 =	vsel vm1, $0xFFFFFFFF, v57  }
0x14: {  	v1 =	vor.u32 v6, v1;
	v5 =	vsel vm1, $0xFFFFFFFF, v5;
	v58 =	vshll.u32 v3, $0x2  }
0x15: {  	v59 =	vshll.u32 v5, $0x7;
	v5 =	vand.u32 $0xFFFF0000, v5;
	v6 =	vand.u32 $0xFFFFFE00, v58  }
0x16: {  	v1 =	vor.u32 v55, v1;
	v61 =	vand.u32 $0x180, v59;
	v60 =	vadd.s32 v5, v6  }
0x17: {  	[tilespmem:s16], [sflag:$0x1] =	stream.indirect_vreg.gather [hbm4b:s3+s10], $0x1, v0, vm0, $0x4038;
	v62 =	vand.u32 $0x7F, v3;
	v63 =	vor.u32 v61, v60;
	[tilespmem:$0x1000] =	vst v63  }
0x18: {  	(ifvalue) =	ssetifvalue $0x7FFFFFFF;
	v0 =	vor.u32 v62, v63  }
0x19: {  	[tilespmem:s15], [sflag:$0x1] =	stream.indirect_vreg.gather [hbm4b:s3+s10], $0x1, v2, vm0, $0x4038;
	[tilespmem:$0x1000] =	vst v63  }
0x1a: {  	s29 =	sadd.s32 $0x10, s15;
	(ifvalue) =	ssetifvalue $0x7FFFFFFF  }
0x1b: {  	[tilespmem:s29], [sflag:$0x1] =	stream.indirect_vreg.gather [hbm4b:s3+s10], $0x1, v1, vm0, $0x4038;
	[tilespmem:$0x1000] =	vst v63  }
0x1c: {  	s15 =	sadd.s32 $0x10, s29;
	(ifvalue) =	ssetifvalue $0x7FFFFFFF  }
0x1d: {  	[tilespmem:s15], [sflag:$0x1] =	stream.indirect_vreg.gather [hbm4b:s3+s10], $0x1, v0, vm0, $0x4038;
	[tilespmem:$0x1000] =	vst v63  }
0x1e: {  	_ =	swait.ge [sflag:s6], $0x400  }
0x1f: {  	s30 =	sshrl.u32 s13, $0x3;
	[sflag:s6] =	ssyncset.done $0x0  }
0x20: {  	s31 =	sand.u32 $0x7, s13;
	s15 =	sadd.s32 s5, s30;
	[sflag:s6] =	ssyncadd.s32 $0xFFFFFC00  }
0x21: {  	[hbm4b:s15+s31] =	stream.linear.scatter [tilespmem:s14], [sflag:$0x3], $0x400, $0x38;
	[tilespmem:$0x1000] =	vst v63  }
.LBB2_5:
0x22: {  	s15 =	sadd.s32 $0x8000, s11  }
0x23: {  	p2 =	sgt.s32 s15, $0xFFFF  }
0x24: {  	s15 =	smov.u32 @p2 s2;
	p2 =	sne.s32 s12, s9  }
.Ltmp1:
0x25: {  	p1 =	slt.u32 s12, $0x2;
	(pc) =	sbr.rel @!p2 .LBB2_6-.Ltmp1, $4  }
0x26: {  	s14 =	simm.s32 @!p1 $0x3  }
0x27: {  	s16 =	sadd.s32 $0x1, s12;
	_ =	swait.ge @!p1 [sflag:s14], $0x400  }
0x28: {  	s13 =	smov.u32 s11;
	p0 =	por !p0, !p0;
	[sflag:s14] =	ssyncset.done @!p1 $0x0  }
0x29: {  	s12 =	smov.u32 s16;
	s11 =	smov.u32 s15;
	[sflag:s14] =	ssyncadd.s32 @!p1 $0xFFFFFC00  }
.LBB2_1:
0x2a: {  	p1 =	sge.u32 s12, s8  }
0x2b: {  	s14 =	sxor.u32 @!p1 $0xFFFFFFFF, s12  }
0x2c: {  	s31 =	sadd.s32 $0xFFFFFFFF, s12;
	s15 =	sshrl.u32 @!p1 s11, $0x3;
	s14 =	sshll.u32 @!p1 s14, $0xA  }
0x2d: {  	s16 =	sand.u32 @!p1 $0x7, s11;
	s15 =	sadd.s32 @!p1 s4, s15;
	s14 =	sand.u32 @!p1 $0x400, s14  }
0x2e: {  	[tilespmem:s14], [sflag:$0x2] =	stream.linear.gather @!p1 [hbm4b:s15+s16], $0x400, $0x38;
	[tilespmem:$0x1000] =	vst v63  }
0x2f: {  	p1 =	sge.u32 s31, s8  }
.Ltmp2:
0x30: {  	_ = 	snop;
	(pc) =	sbr.rel @p1 .LBB2_5-.Ltmp2, $1  }
0x31: {  	_ =	sdelay $0x3  }
0x32: {  	s14 =	simm.s32 $0x1  }
0x33: {  	_ =	swait.ge [sflag:s7], $0x400;
	s14 =	simm.s32 @!p0 $0x0  }
0x34: {  	[sflag:s7] =	ssyncset.done $0x0;
	s14 =	sshll.u32 s14, $0xA  }
0x35: {  	[sflag:s7] =	ssyncadd.s32 $0xFFFFFC00;
	(ifvalue) =	ssetifvalue $0x7FFFFFFF;
	v0 =	vld.msk [tilespmem:s14+$0x0 ss:$0x1], $0xffff;
	_ =	sdelay $0x4  }
0x36: {  	s15 =	sadd.s32 $0x10, s14;
	v2 =	vshrl.u32 v0, $0x2  }
0x37: {  	v1 =	vld.msk [tilespmem:s15+$0x0 ss:$0x1], $0xffff;
	vm1 =	veq.s32 v0, $0x80000000;
	v2 =	vand.u32 $0x3FFF, v2  }
0x38: {  	v0 =	vand.u32 $0x3, v0;
	v2 =	vsel vm1, $0xFFFFFFFF, v2  }
0x39: {  	v0 =	vsel vm1, $0xFFFFFFFF, v0;
	v3 =	vshll.u32 v2, $0x2  }
0x3a: {  	v4 =	vand.u32 $0xFFFF0000, v0;
	v0 =	vshll.u32 v0, $0x7;
	v3 =	vand.u32 $0xFFFFFE00, v3  }
0x3b: {  	v0 =	vand.u32 $0x180, v0;
	v3 =	vadd.s32 v4, v3  }
0x3c: {  	v2 =	vand.u32 $0x7F, v2;
	v4 =	vshrl.u32 v1, $0x2;
	v0 =	vor.u32 v0, v3  }
0x3d: {  	vm1 =	veq.s32 v1, $0x80000000;
	v4 =	vand.u32 $0x3FFF, v4;
	v0 =	vor.u32 v2, v0  }
0x3e: {  	s16 =	sshll.u32 s12, $0xA;
	s15 =	sadd.s32 $0x10, s15;
	v1 =	vand.u32 $0x3, v1;
	v3 =	vsel vm1, $0xFFFFFFFF, v4  }
0x3f: {  	s17 =	sand.u32 $0x400, s16;
	v2 =	vsel vm1, $0xFFFFFFFF, v1;
	v1 =	vld.msk [tilespmem:s15+$0x0 ss:$0x1], $0xffff;
	v4 =	vshll.u32 v3, $0x2  }
0x40: {  	s16 =	sor.u32 $0x800, s14;
	s14 =	sor.u32 $0x800, s17;
	s17 =	simm.s32 $0x30;
	v5 =	vshll.u32 v2, $0x7;
	v6 =	vand.u32 $0xFFFF0000, v2;
	v4 =	vand.u32 $0xFFFFFE00, v4  }
0x41: {  	s18 =	sadd.s32 $0x10, s15;
	(ifvalue) =	ssetifvalue $0x7FFFFFFF;
	s15 =	sadd.s32 $0x10, s16;
	v2 =	vand.u32 $0x7F, v3;
	v3 =	vadd.s32 v6, v4;
	v4 =	vand.u32 $0x180, v5  }
.LBB2_3:
0x42: {  	[tilespmem:s16], [sflag:$0x1] =	stream.indirect_vreg.gather [hbm4b:s3+s10], $0x1, v0, vm0, $0x4038;
	[tilespmem:$0x1000] =	vst v63  }
0x43: {  	s17 =	sadd.s32 $0x10, s17  }
0x44: {  	v5 =	vand.u32 $0x3, v1;
	v6 =	vshrl.u32 v1, $0x2;
	v3 =	vor.u32 v4, v3;
	v0 =	vmovc v1;
	v1 =	vld.msk [tilespmem:s18+$0x0 ss:$0x1], $0xffff;
	p1 =	slt.u32 s17, $0x3F0  }
.Ltmp3:
0x45: {  	s16 =	smov.u32 s15;
	vm1 =	veq.s32 v0, $0x80000000;
	v4 =	vand.u32 $0x3FFF, v6;
	v0 =	vor.u32 v2, v3;
	(pc) =	sbr.rel @p1 .LBB2_3-.Ltmp3, $4  }
0x46: {  	v3 =	vsel vm1, $0xFFFFFFFF, v5;
	v4 =	vsel vm1, $0xFFFFFFFF, v4  }
0x47: {  	v2 =	vand.u32 $0x7F, v4;
	v4 =	vshll.u32 v4, $0x2;
	v5 =	vshll.u32 v3, $0x7  }
0x48: {  	v3 =	vand.u32 $0xFFFF0000, v3;
	v4 =	vand.u32 $0xFFFFFE00, v4  }
0x49: {  	s18 =	sadd.s32 $0x10, s18;
	s15 =	sadd.s32 $0x10, s15;
	v3 =	vadd.s32 v3, v4;
	v4 =	vand.u32 $0x180, v5;
	(ifvalue) =	ssetifvalue $0x7FFFFFFF  }
.Ltmp4:
0x4a: {  	_ = 	snop;
	(pc) =	sbr.rel .LBB2_4-.Ltmp4, $1  }
0x4b: {  	_ =	sdelay $0x3  }
.LBB2_6:
0x4c: {  	_ =	sfence.sel $0x180000  }
0x4d: {  	s2 =	simm.s32 $0x2;
	[bflag:$0x0] =	sbarrier.arrive $0xFFFF  }
0x4e: {  	s30 =	simm.s32 $0x3;
	[sflag:s2] =	ssyncpa.u1 $0x1  }
0x4f: {  	s31 =	simm.s32 $0x1;
	[sflag:s30] =	ssyncpa.u1 $0x1  }
0x50: {  	[sflag:s31] =	ssyncpa.u1 $0x1  }
0x51: {  	p0 =	sne.s32 s1, $0x0;
	_ =	strace $0x90000047  }
0x52: {  	s0 =	sadd.s32 @!p0 $0x100000, s0;
	[bflag:$0x2] =	sbarrier.arrive $0xFFFF  }
0x53: {  	[sflag:s0] =	ssyncadd.tile.s32 @!p0 $0x1;
	_ =	shalt  }
.Lfunc_end2:
_tile_overlayer_lowered:
.L_overlay_start_2:
0x54: {  	(tag) =	ssettag $0x2  }
0x55: {  	s0 =	rddreg [dreg:$0x0];
	s2 =	stileid.u32  }
0x56: {  	s1 =	rddreg [dreg:$0x1];
	p0 =	sne.s32 s2, $0x0  }
0x57: {  	s3 =	rddreg [dreg:$0x2];
	[bflag:$0x3] =	sbarrier.arrive $0xFFFF;
	s2 =	simm.s32 @!p0 $0x1C01  }
0x58: {  	[timem:s3], [sflag:s2] =	dma.local @!p0 [hbm:s0], s1  }
0x59: {  	s0 =	simm.s32 @!p0 $0x1  }
0x5a: {  	_ =	swait.ge @!p0 [sflag:s0], s1  }
0x5b: {  	s1 =	ssub.s32 @!p0 $0x0, s1;
	[sflag:s0] =	ssyncset.done @!p0 $0x0  }
0x5c: {  	[sflag:s0] =	ssyncadd.s32 @!p0 s1  }
0x5d: {  	[bflag:$0x3] =	sbarrier.arrive $0xFFFF  }
0x5e: {  	_ =	shalt  }

</sc_bundles>
